<compile_context>
chip_gen: v7x
topology: tpu7x:2x2x1
jax: 0.10.2.dev20260603
libtpu: 0.0.44.dev20260713+nightly
codegen_flags: <defaults>
</compile_context>

<pallas_src>
import functools

import jax
import jax.numpy as jnp
from jax import lax
from jax.experimental import pallas as pl
from jax.experimental.pallas import tpu as pltpu
from jax.experimental.pallas import tpu_sc as plsc

_B_OUT = 4096
_LANES = 16
_SUB = 8
_LANE_T = 128


@functools.lru_cache(maxsize=None)
def _build(t_rows: int, dim: int):
    mesh = plsc.VectorSubcoreMesh(core_axis_name="c", subcore_axis_name="s")
    nc, ns = mesh.num_cores, mesh.num_subcores
    nw = nc * ns
    n_bblk = _B_OUT // _LANE_T
    n_dblk = dim // _SUB
    n_units = t_rows * n_dblk
    assert n_units % nw == 0
    units_per_w = n_units // nw
    assert units_per_w % 2 == 0
    vals_per_w = units_per_w * _SUB

    @functools.partial(
        pl.kernel,
        mesh=mesh,
        out_type=jax.ShapeDtypeStruct(
            (t_rows, n_dblk, n_bblk, _SUB, _LANE_T), jnp.float32
        ),
        scratch_types=[
            pltpu.VMEM((vals_per_w,), jnp.float32),
            pltpu.VMEM((dim,), jnp.float32),
            pltpu.VMEM((n_bblk, _SUB, _LANE_T), jnp.float32),
            pltpu.VMEM((n_bblk, _SUB, _LANE_T), jnp.float32),
            pltpu.SemaphoreType.DMA,
            pltpu.SemaphoreType.DMA,
        ],
    )
    def k(temb_hbm, bias_hbm, out_hbm, tab_v, bias_v, buf_a, buf_b,
          sem_a, sem_b):
        wid = lax.axis_index("s") * nc + lax.axis_index("c")
        u0 = wid * units_per_w
        v0 = u0 * _SUB
        pltpu.sync_copy(temb_hbm.at[pl.ds(v0, vals_per_w)], tab_v)
        pltpu.sync_copy(bias_hbm, bias_v)

        def build_unit(vals, buf):
            def rep_body(rep, carry):
                for r in range(_SUB):
                    for j in range(_LANE_T // _LANES):
                        buf[rep, r, pl.ds(j * _LANES, _LANES)] = vals[r]
                return carry

            lax.fori_loop(0, n_bblk, rep_body, 0)

        def pair(p, carry):
            vec = tab_v[pl.ds(_LANES * p, _LANES)]
            bvec = bias_v[pl.ds((v0 + _LANES * p) % dim, _LANES)]
            sv = vec + bvec
            for b, buf, sem in ((0, buf_a, sem_a), (1, buf_b, sem_b)):
                u = u0 + 2 * p + b

                @pl.when(p > 0)
                def _wait():
                    up = u - 2
                    pltpu.make_async_copy(
                        buf, out_hbm.at[up // n_dblk, up % n_dblk], sem
                    ).wait()

                vals = [
                    jnp.full((_LANES,), sv[_SUB * b + r], jnp.float32)
                    for r in range(_SUB)
                ]
                build_unit(vals, buf)
                pltpu.async_copy(buf, out_hbm.at[u // n_dblk, u % n_dblk], sem)
            return carry

        lax.fori_loop(0, units_per_w // 2, pair, 0)
        ua = u0 + units_per_w - 2
        ub = u0 + units_per_w - 1
        pltpu.make_async_copy(
            buf_a, out_hbm.at[ua // n_dblk, ua % n_dblk], sem_a
        ).wait()
        pltpu.make_async_copy(
            buf_b, out_hbm.at[ub // n_dblk, ub % n_dblk], sem_b
        ).wait()

    return k


def kernel(B, T, temb_weight, type_bias):
    t_rows, dim = temb_weight.shape
    temb_flat = temb_weight.reshape(t_rows * dim)
    bias_flat = type_bias.reshape(dim)
    out = _build(t_rows, dim)(temb_flat, bias_flat)
    out = out.transpose(2, 4, 0, 1, 3).reshape(_B_OUT, t_rows, dim)
    return out[:, :, None, :]

# --- scband reference (transcript-rebuilt; emitter-appended) ---
"""Pipeline reference for scband-pose-temporal-pe-44418551775821 (READ-ONLY COPY).

The authoritative reference and input builder live on the scoring server;
editing this copy changes nothing except your own understanding.
"""

import jax, jax.numpy as jnp
import numpy as np

T_EMB = 200
DIM = 64
B_SZ = 4096
INIT_STD = 0.02

def setup_inputs(seed: int = 0) -> dict:
    key = jax.random.key(seed)
    k1, k2 = jax.random.split(key)
    # trunc_normal init approximated with truncated_normal scaled by std
    temb_weight = jax.random.truncated_normal(k1, -2.0, 2.0, (T_EMB, DIM), dtype=jnp.float32) * INIT_STD
    type_bias = jax.random.truncated_normal(k2, -2.0, 2.0, (1, 1, DIM), dtype=jnp.float32) * INIT_STD
    return {"B": B_SZ, "T": T_EMB, "temb_weight": temb_weight, "type_bias": type_bias}

def reference(B, T, temb_weight, type_bias):
    # t_ids = arange(T); pe = temb(t_ids)[None].expand(B, T, -1)
    T_static = temb_weight.shape[0]
    t_ids = jnp.arange(T_static) + ((B - B) + (T - T_static))
    gathered = jnp.take(temb_weight, t_ids, axis=0)  # [T, dim]
    pe = jnp.broadcast_to(gathered[None], (B_SZ, T_static, temb_weight.shape[1]))
    pe = pe + type_bias  # broadcast [1,1,dim]
    return pe[:, :, None, :]  # unsqueeze(2) -> [B, T, 1, dim]

if __name__ == "__main__":
    import jax
    _d = setup_inputs()
    print(jax.jit(kernel)(*tuple(_d.values())))

</pallas_src>

<mosaic_0001>
#map = affine_map<(d0, d1) -> (0)>
#map1 = affine_map<(d0, d1) -> (0, 0, 0, 0, 0)>
module attributes {stable_mosaic.version = 14 : i64} {
  func.func @k(%arg0: i32, %arg1: i32, %arg2: memref<12800xf32, #tpu.memory_space<hbm>>, %arg3: memref<64xf32, #tpu.memory_space<hbm>>, %arg4: memref<200x8x32x8x128xf32, #tpu.memory_space<hbm>>, %arg5: memref<400xf32, #tpu.memory_space<vmem>>, %arg6: memref<64xf32, #tpu.memory_space<vmem>>, %arg7: memref<32x8x128xf32, #tpu.memory_space<vmem>>, %arg8: memref<32x8x128xf32, #tpu.memory_space<vmem>>, %arg9: memref<!tpu.dma_semaphore, #tpu.memory_space<semaphore_mem>>, %arg10: memref<!tpu.dma_semaphore, #tpu.memory_space<semaphore_mem>>) attributes {dimension_semantics = [#tpu.dimension_semantics<core_parallel>, #tpu.dimension_semantics<subcore_parallel>], iteration_bounds = array<i64: 2, 16>, scalar_prefetch = 0 : i64, scratch_operands = 6 : i64, tpu.core_type = #tpu.core_type<sc_vector_subcore>, window_params = [{transform_indices = #map}, {transform_indices = #map}, {transform_indices = #map1}]} {
    %mul3A = arith.constant 2 : i32
    %mul3A_0 = arith.muli %arg1, %mul3A : i32
    %add3A = arith.addi %mul3A_0, %arg0 : i32
    %mul3A_1 = arith.constant 50 : i32
    %mul3A_2 = arith.muli %add3A, %mul3A_1 : i32
    %mul3A_3 = arith.constant 8 : i32
    %mul3A_4 = arith.muli %mul3A_2, %mul3A_3 : i32
    "tpu.region"() ({
      %run_scoped3A = tpu.sem_alloc : memref<!tpu.dma_semaphore, #tpu.memory_space<semaphore_mem>>
      %dma_start3A = tpu.memref_slice %arg2[%mul3A_4] : memref<12800xf32, #tpu.memory_space<hbm>> -> memref<400xf32, #tpu.memory_space<hbm>>
      %dma_start3A_107 = tpu.memref_slice %arg2[%mul3A_4] : memref<12800xf32, #tpu.memory_space<hbm>> -> memref<400xf32, #tpu.memory_space<hbm>>
      tpu.enqueue_dma source(%dma_start3A_107 : memref<400xf32, #tpu.memory_space<hbm>>) target(%arg5 : memref<400xf32, #tpu.memory_space<vmem>>) target_semaphore(%run_scoped3A : memref<!tpu.dma_semaphore, #tpu.memory_space<semaphore_mem>>)
      %dma_wait3A_108 = tpu.memref_slice %arg2[%mul3A_4] : memref<12800xf32, #tpu.memory_space<hbm>> -> memref<400xf32, #tpu.memory_space<hbm>>
      %dma_wait3A_109 = tpu.memref_slice %arg2[%mul3A_4] : memref<12800xf32, #tpu.memory_space<hbm>> -> memref<400xf32, #tpu.memory_space<hbm>>
      tpu.wait_dma2 semaphore(%run_scoped3A : memref<!tpu.dma_semaphore, #tpu.memory_space<semaphore_mem>>) src(%dma_wait3A_109 : memref<400xf32, #tpu.memory_space<hbm>>) dst(%arg5 : memref<400xf32, #tpu.memory_space<vmem>>)
      tpu.yield
    }) : () -> ()
    "tpu.region"() ({
      %run_scoped3A = tpu.sem_alloc : memref<!tpu.dma_semaphore, #tpu.memory_space<semaphore_mem>>
      tpu.enqueue_dma source(%arg3 : memref<64xf32, #tpu.memory_space<hbm>>) target(%arg6 : memref<64xf32, #tpu.memory_space<vmem>>) target_semaphore(%run_scoped3A : memref<!tpu.dma_semaphore, #tpu.memory_space<semaphore_mem>>)
      tpu.wait_dma2 semaphore(%run_scoped3A : memref<!tpu.dma_semaphore, #tpu.memory_space<semaphore_mem>>) src(%arg3 : memref<64xf32, #tpu.memory_space<hbm>>) dst(%arg6 : memref<64xf32, #tpu.memory_space<vmem>>)
      tpu.yield
    }) : () -> ()
    %scan3A = arith.constant 0 : i32
    %scan3A_5 = arith.constant 0 : i32
    %scan3A_6 = arith.constant 25 : i32
    %scan3A_7 = arith.addi %scan3A_5, %scan3A_6 : i32
    %scan3A_8 = arith.constant 1 : i32
    scf.for %scan3A_107 = %scan3A_5 to %scan3A_7 step %scan3A_8  : i32 {
      %mul3A_108 = arith.constant 16 : i32
      %mul3A_109 = arith.muli %mul3A_108, %scan3A_107 : i32
      %get3A = arith.index_cast %mul3A_109 : i32 to index
      %get3A_110 = tpu.vector_load %arg5[%get3A] {strides = array<i32>} : memref<400xf32, #tpu.memory_space<vmem>>, vector<16xf32>,
      %get3A_111 = vector.shape_cast %get3A_110 : vector<16xf32> to vector<16xf32>
      %mul3A_112 = arith.constant 16 : i32
      %mul3A_113 = arith.muli %mul3A_112, %scan3A_107 : i32
      %add3A_114 = arith.addi %mul3A_4, %mul3A_113 : i32
      %jit3A_115 = arith.constant 64 : i32
      %eq3A_116 = arith.constant 0 : i32
      %eq3A_117 = arith.cmpi eq, %jit3A_115, %eq3A_116 : i32
      %jit3A_118 = arith.constant 1 : i32
      %select_n3A_119 = arith.select %eq3A_117, %jit3A_118, %jit3A_115 : i32
      %rem3A_120 = arith.remsi %add3A_114, %select_n3A_119 : i32
      %ne3A_121 = arith.constant 0 : i32
      %ne3A_122 = arith.cmpi ne, %rem3A_120, %ne3A_121 : i32
      %lt3A_123 = arith.constant 0 : i32
      %lt3A_124 = arith.cmpi slt, %rem3A_120, %lt3A_123 : i32
      %lt3A_125 = arith.constant 0 : i32
      %lt3A_126 = arith.cmpi slt, %select_n3A_119, %lt3A_125 : i32
      %ne3A_127 = arith.xori %lt3A_124, %lt3A_126 : i1
      %and3A_128 = arith.andi %ne3A_127, %ne3A_122 : i1
      %add3A_129 = arith.addi %rem3A_120, %select_n3A_119 : i32
      %select_n3A_130 = arith.select %and3A_128, %add3A_129, %rem3A_120 : i32
      %get3A_131 = arith.index_cast %select_n3A_130 : i32 to index
      %get3A_132 = tpu.vector_load %arg6[%get3A_131] {strides = array<i32>} : memref<64xf32, #tpu.memory_space<vmem>>, vector<16xf32>,
      %get3A_133 = vector.shape_cast %get3A_132 : vector<16xf32> to vector<16xf32>
      %add3A_134 = arith.addf %get3A_111, %get3A_133 : vector<16xf32>
      %mul3A_135 = arith.constant 2 : i32
      %mul3A_136 = arith.muli %mul3A_135, %scan3A_107 : i32
      %add3A_137 = arith.addi %mul3A_2, %mul3A_136 : i32
      %add3A_138 = arith.constant 0 : i32
      %add3A_139 = arith.addi %add3A_137, %add3A_138 : i32
      %gt3A = arith.constant 0 : i32
      %gt3A_140 = arith.cmpi sgt, %scan3A_107, %gt3A : i32
      %convert_element_type3A = arith.extui %gt3A_140 : i1 to i32
      %cond3A = arith.constant 0 : i32
      %cond3A_141 = arith.cmpi ne, %convert_element_type3A, %cond3A : i32
      scf.if %cond3A_141 {
        %sub3A_308 = arith.constant 2 : i32
        %sub3A_309 = arith.subi %add3A_139, %sub3A_308 : i32
        %jit3A_310 = arith.constant 8 : i32
        %div3A_311 = arith.divsi %sub3A_309, %jit3A_310 : i32
        %sign3A_312 = arith.constant 0 : i32
        %sign3A_313 = arith.cmpi sgt, %sub3A_309, %sign3A_312 : i32
        %sign3A_314 = arith.extui %sign3A_313 : i1 to i32
        %sign3A_315 = arith.constant 0 : i32
        %sign3A_316 = arith.cmpi slt, %sub3A_309, %sign3A_315 : i32
        %sign3A_317 = arith.extui %sign3A_316 : i1 to i32
        %sign3A_318 = arith.subi %sign3A_314, %sign3A_317 : i32
        %sign3A_319 = arith.constant 0 : i32
        %sign3A_320 = arith.cmpi sgt, %jit3A_310, %sign3A_319 : i32
        %sign3A_321 = arith.extui %sign3A_320 : i1 to i32
        %sign3A_322 = arith.constant 0 : i32
        %sign3A_323 = arith.cmpi slt, %jit3A_310, %sign3A_322 : i32
        %sign3A_324 = arith.extui %sign3A_323 : i1 to i32
        %sign3A_325 = arith.subi %sign3A_321, %sign3A_324 : i32
        %ne3A_326 = arith.cmpi ne, %sign3A_318, %sign3A_325 : i32
        %rem3A_327 = arith.remsi %sub3A_309, %jit3A_310 : i32
        %ne3A_328 = arith.constant 0 : i32
        %ne3A_329 = arith.cmpi ne, %rem3A_327, %ne3A_328 : i32
        %and3A_330 = arith.andi %ne3A_326, %ne3A_329 : i1
        %sub3A_331 = arith.constant 1 : i32
        %sub3A_332 = arith.subi %div3A_311, %sub3A_331 : i32
        %select_n3A_333 = arith.select %and3A_330, %sub3A_332, %div3A_311 : i32
        %jit3A_334 = arith.constant 8 : i32
        %eq3A_335 = arith.constant 0 : i32
        %eq3A_336 = arith.cmpi eq, %jit3A_334, %eq3A_335 : i32
        %jit3A_337 = arith.constant 1 : i32
        %select_n3A_338 = arith.select %eq3A_336, %jit3A_337, %jit3A_334 : i32
        %rem3A_339 = arith.remsi %sub3A_309, %select_n3A_338 : i32
        %ne3A_340 = arith.constant 0 : i32
        %ne3A_341 = arith.cmpi ne, %rem3A_339, %ne3A_340 : i32
        %lt3A_342 = arith.constant 0 : i32
        %lt3A_343 = arith.cmpi slt, %rem3A_339, %lt3A_342 : i32
        %lt3A_344 = arith.constant 0 : i32
        %lt3A_345 = arith.cmpi slt, %select_n3A_338, %lt3A_344 : i32
        %ne3A_346 = arith.xori %lt3A_343, %lt3A_345 : i1
        %and3A_347 = arith.andi %ne3A_346, %ne3A_341 : i1
        %add3A_348 = arith.addi %rem3A_339, %select_n3A_338 : i32
        %select_n3A_349 = arith.select %and3A_347, %add3A_348, %rem3A_339 : i32
        %dma_wait3A_350 = arith.constant 0 : i32
        %dma_wait3A_351 = arith.constant 0 : i32
        %dma_wait3A_352 = arith.constant 0 : i32
        %dma_wait3A_353 = tpu.memref_slice %arg4[%select_n3A_333, %select_n3A_349, %dma_wait3A_350, %dma_wait3A_351, %dma_wait3A_352] : memref<200x8x32x8x128xf32, #tpu.memory_space<hbm>> -> memref<1x1x32x8x128xf32, #tpu.memory_space<hbm>>
        %dma_wait3A_354 = tpu.memref_squeeze %dma_wait3A_353 : memref<1x1x32x8x128xf32, #tpu.memory_space<hbm>> -> memref<32x8x128xf32, #tpu.memory_space<hbm>>
        %dma_wait3A_355 = arith.constant 0 : i32
        %dma_wait3A_356 = arith.constant 0 : i32
        %dma_wait3A_357 = arith.constant 0 : i32
        %dma_wait3A_358 = tpu.memref_slice %arg4[%select_n3A_333, %select_n3A_349, %dma_wait3A_355, %dma_wait3A_356, %dma_wait3A_357] : memref<200x8x32x8x128xf32, #tpu.memory_space<hbm>> -> memref<1x1x32x8x128xf32, #tpu.memory_space<hbm>>
        %dma_wait3A_359 = tpu.memref_squeeze %dma_wait3A_358 : memref<1x1x32x8x128xf32, #tpu.memory_space<hbm>> -> memref<32x8x128xf32, #tpu.memory_space<hbm>>
        tpu.wait_dma2 semaphore(%arg9 : memref<!tpu.dma_semaphore, #tpu.memory_space<semaphore_mem>>) src(%arg7 : memref<32x8x128xf32, #tpu.memory_space<vmem>>) dst(%dma_wait3A_359 : memref<32x8x128xf32, #tpu.memory_space<hbm>>)
      } else {
      }
      %slice3A = vector.extract_strided_slice %add3A_134 {offsets = [0], sizes = [1], strides = [1]} : vector<16xf32> to vector<1xf32>
      %squeeze3A = vector.extract %slice3A[0] : f32 from vector<1xf32>
      %broadcast_in_dim3A = vector.broadcast %squeeze3A : f32 to vector<16xf32>
      %slice3A_142 = vector.extract_strided_slice %add3A_134 {offsets = [1], sizes = [1], strides = [1]} : vector<16xf32> to vector<1xf32>
      %squeeze3A_143 = vector.extract %slice3A_142[0] : f32 from vector<1xf32>
      %broadcast_in_dim3A_144 = vector.broadcast %squeeze3A_143 : f32 to vector<16xf32>
      %slice3A_145 = vector.extract_strided_slice %add3A_134 {offsets = [2], sizes = [1], strides = [1]} : vector<16xf32> to vector<1xf32>
      %squeeze3A_146 = vector.extract %slice3A_145[0] : f32 from vector<1xf32>
      %broadcast_in_dim3A_147 = vector.broadcast %squeeze3A_146 : f32 to vector<16xf32>
      %slice3A_148 = vector.extract_strided_slice %add3A_134 {offsets = [3], sizes = [1], strides = [1]} : vector<16xf32> to vector<1xf32>
      %squeeze3A_149 = vector.extract %slice3A_148[0] : f32 from vector<1xf32>
      %broadcast_in_dim3A_150 = vector.broadcast %squeeze3A_149 : f32 to vector<16xf32>
      %slice3A_151 = vector.extract_strided_slice %add3A_134 {offsets = [4], sizes = [1], strides = [1]} : vector<16xf32> to vector<1xf32>
      %squeeze3A_152 = vector.extract %slice3A_151[0] : f32 from vector<1xf32>
      %broadcast_in_dim3A_153 = vector.broadcast %squeeze3A_152 : f32 to vector<16xf32>
      %slice3A_154 = vector.extract_strided_slice %add3A_134 {offsets = [5], sizes = [1], strides = [1]} : vector<16xf32> to vector<1xf32>
      %squeeze3A_155 = vector.extract %slice3A_154[0] : f32 from vector<1xf32>
      %broadcast_in_dim3A_156 = vector.broadcast %squeeze3A_155 : f32 to vector<16xf32>
      %slice3A_157 = vector.extract_strided_slice %add3A_134 {offsets = [6], sizes = [1], strides = [1]} : vector<16xf32> to vector<1xf32>
      %squeeze3A_158 = vector.extract %slice3A_157[0] : f32 from vector<1xf32>
      %broadcast_in_dim3A_159 = vector.broadcast %squeeze3A_158 : f32 to vector<16xf32>
      %slice3A_160 = vector.extract_strided_slice %add3A_134 {offsets = [7], sizes = [1], strides = [1]} : vector<16xf32> to vector<1xf32>
      %squeeze3A_161 = vector.extract %slice3A_160[0] : f32 from vector<1xf32>
      %broadcast_in_dim3A_162 = vector.broadcast %squeeze3A_161 : f32 to vector<16xf32>
      %scan3A_163 = arith.constant 0 : i32
      %scan3A_164 = arith.constant 0 : i32
      %scan3A_165 = arith.constant 32 : i32
      %scan3A_166 = arith.addi %scan3A_164, %scan3A_165 : i32
      %scan3A_167 = arith.constant 1 : i32
      scf.for %scan3A_308 = %scan3A_164 to %scan3A_166 step %scan3A_167  : i32 {
        %swap3A = arith.constant 0 : i32
        %swap3A_309 = arith.index_cast %scan3A_308 : i32 to index
        %swap3A_310 = arith.index_cast %swap3A : i32 to index
        %swap3A_311 = arith.constant 0 : index
        %swap3A_312 = tpu.vector_load %arg7[%swap3A_309, %swap3A_310, %swap3A_311] {strides = array<i32>} : memref<32x8x128xf32, #tpu.memory_space<vmem>>, vector<1x1x16xf32>,
        %swap3A_313 = vector.shape_cast %swap3A_312 : vector<1x1x16xf32> to vector<16xf32>
        %swap3A_314 = vector.shape_cast %broadcast_in_dim3A : vector<16xf32> to vector<1x1x16xf32>
        tpu.vector_store %arg7[%swap3A_309, %swap3A_310, %swap3A_311], %swap3A_314 {strides = array<i32>} : memref<32x8x128xf32, #tpu.memory_space<vmem>>, vector<1x1x16xf32>,
        %swap3A_315 = arith.constant 0 : i32
        %swap3A_316 = arith.index_cast %scan3A_308 : i32 to index
        %swap3A_317 = arith.index_cast %swap3A_315 : i32 to index
        %swap3A_318 = arith.constant 16 : index
        %swap3A_319 = tpu.vector_load %arg7[%swap3A_316, %swap3A_317, %swap3A_318] {strides = array<i32>} : memref<32x8x128xf32, #tpu.memory_space<vmem>>, vector<1x1x16xf32>,
        %swap3A_320 = vector.shape_cast %swap3A_319 : vector<1x1x16xf32> to vector<16xf32>
        %swap3A_321 = vector.shape_cast %broadcast_in_dim3A : vector<16xf32> to vector<1x1x16xf32>
        tpu.vector_store %arg7[%swap3A_316, %swap3A_317, %swap3A_318], %swap3A_321 {strides = array<i32>} : memref<32x8x128xf32, #tpu.memory_space<vmem>>, vector<1x1x16xf32>,
        %swap3A_322 = arith.constant 0 : i32
        %swap3A_323 = arith.index_cast %scan3A_308 : i32 to index
        %swap3A_324 = arith.index_cast %swap3A_322 : i32 to index
        %swap3A_325 = arith.constant 32 : index
        %swap3A_326 = tpu.vector_load %arg7[%swap3A_323, %swap3A_324, %swap3A_325] {strides = array<i32>} : memref<32x8x128xf32, #tpu.memory_space<vmem>>, vector<1x1x16xf32>,
        %swap3A_327 = vector.shape_cast %swap3A_326 : vector<1x1x16xf32> to vector<16xf32>
        %swap3A_328 = vector.shape_cast %broadcast_in_dim3A : vector<16xf32> to vector<1x1x16xf32>
        tpu.vector_store %arg7[%swap3A_323, %swap3A_324, %swap3A_325], %swap3A_328 {strides = array<i32>} : memref<32x8x128xf32, #tpu.memory_space<vmem>>, vector<1x1x16xf32>,
        %swap3A_329 = arith.constant 0 : i32
        %swap3A_330 = arith.index_cast %scan3A_308 : i32 to index
        %swap3A_331 = arith.index_cast %swap3A_329 : i32 to index
        %swap3A_332 = arith.constant 48 : index
        %swap3A_333 = tpu.vector_load %arg7[%swap3A_330, %swap3A_331, %swap3A_332] {strides = array<i32>} : memref<32x8x128xf32, #tpu.memory_space<vmem>>, vector<1x1x16xf32>,
        %swap3A_334 = vector.shape_cast %swap3A_333 : vector<1x1x16xf32> to vector<16xf32>
        %swap3A_335 = vector.shape_cast %broadcast_in_dim3A : vector<16xf32> to vector<1x1x16xf32>
        tpu.vector_store %arg7[%swap3A_330, %swap3A_331, %swap3A_332], %swap3A_335 {strides = array<i32>} : memref<32x8x128xf32, #tpu.memory_space<vmem>>, vector<1x1x16xf32>,
        %swap3A_336 = arith.constant 0 : i32
        %swap3A_337 = arith.index_cast %scan3A_308 : i32 to index
        %swap3A_338 = arith.index_cast %swap3A_336 : i32 to index
        %swap3A_339 = arith.constant 64 : index
        %swap3A_340 = tpu.vector_load %arg7[%swap3A_337, %swap3A_338, %swap3A_339] {strides = array<i32>} : memref<32x8x128xf32, #tpu.memory_space<vmem>>, vector<1x1x16xf32>,
        %swap3A_341 = vector.shape_cast %swap3A_340 : vector<1x1x16xf32> to vector<16xf32>
        %swap3A_342 = vector.shape_cast %broadcast_in_dim3A : vector<16xf32> to vector<1x1x16xf32>
        tpu.vector_store %arg7[%swap3A_337, %swap3A_338, %swap3A_339], %swap3A_342 {strides = array<i32>} : memref<32x8x128xf32, #tpu.memory_space<vmem>>, vector<1x1x16xf32>,
        %swap3A_343 = arith.constant 0 : i32
        %swap3A_344 = arith.index_cast %scan3A_308 : i32 to index
        %swap3A_345 = arith.index_cast %swap3A_343 : i32 to index
        %swap3A_346 = arith.constant 80 : index
        %swap3A_347 = tpu.vector_load %arg7[%swap3A_344, %swap3A_345, %swap3A_346] {strides = array<i32>} : memref<32x8x128xf32, #tpu.memory_space<vmem>>, vector<1x1x16xf32>,
        %swap3A_348 = vector.shape_cast %swap3A_347 : vector<1x1x16xf32> to vector<16xf32>
        %swap3A_349 = vector.shape_cast %broadcast_in_dim3A : vector<16xf32> to vector<1x1x16xf32>
        tpu.vector_store %arg7[%swap3A_344, %swap3A_345, %swap3A_346], %swap3A_349 {strides = array<i32>} : memref<32x8x128xf32, #tpu.memory_space<vmem>>, vector<1x1x16xf32>,
        %swap3A_350 = arith.constant 0 : i32
        %swap3A_351 = arith.index_cast %scan3A_308 : i32 to index
        %swap3A_352 = arith.index_cast %swap3A_350 : i32 to index
        %swap3A_353 = arith.constant 96 : index
        %swap3A_354 = tpu.vector_load %arg7[%swap3A_351, %swap3A_352, %swap3A_353] {strides = array<i32>} : memref<32x8x128xf32, #tpu.memory_space<vmem>>, vector<1x1x16xf32>,
        %swap3A_355 = vector.shape_cast %swap3A_354 : vector<1x1x16xf32> to vector<16xf32>
        %swap3A_356 = vector.shape_cast %broadcast_in_dim3A : vector<16xf32> to vector<1x1x16xf32>
        tpu.vector_store %arg7[%swap3A_351, %swap3A_352, %swap3A_353], %swap3A_356 {strides = array<i32>} : memref<32x8x128xf32, #tpu.memory_space<vmem>>, vector<1x1x16xf32>,
        %swap3A_357 = arith.constant 0 : i32
        %swap3A_358 = arith.index_cast %scan3A_308 : i32 to index
        %swap3A_359 = arith.index_cast %swap3A_357 : i32 to index
        %swap3A_360 = arith.constant 112 : index
        %swap3A_361 = tpu.vector_load %arg7[%swap3A_358, %swap3A_359, %swap3A_360] {strides = array<i32>} : memref<32x8x128xf32, #tpu.memory_space<vmem>>, vector<1x1x16xf32>,
        %swap3A_362 = vector.shape_cast %swap3A_361 : vector<1x1x16xf32> to vector<16xf32>
        %swap3A_363 = vector.shape_cast %broadcast_in_dim3A : vector<16xf32> to vector<1x1x16xf32>
        tpu.vector_store %arg7[%swap3A_358, %swap3A_359, %swap3A_360], %swap3A_363 {strides = array<i32>} : memref<32x8x128xf32, #tpu.memory_space<vmem>>, vector<1x1x16xf32>,
        %swap3A_364 = arith.constant 1 : i32
        %swap3A_365 = arith.index_cast %scan3A_308 : i32 to index
        %swap3A_366 = arith.index_cast %swap3A_364 : i32 to index
        %swap3A_367 = arith.constant 0 : index
        %swap3A_368 = tpu.vector_load %arg7[%swap3A_365, %swap3A_366, %swap3A_367] {strides = array<i32>} : memref<32x8x128xf32, #tpu.memory_space<vmem>>, vector<1x1x16xf32>,
        %swap3A_369 = vector.shape_cast %swap3A_368 : vector<1x1x16xf32> to vector<16xf32>
        %swap3A_370 = vector.shape_cast %broadcast_in_dim3A_144 : vector<16xf32> to vector<1x1x16xf32>
        tpu.vector_store %arg7[%swap3A_365, %swap3A_366, %swap3A_367], %swap3A_370 {strides = array<i32>} : memref<32x8x128xf32, #tpu.memory_space<vmem>>, vector<1x1x16xf32>,
        %swap3A_371 = arith.constant 1 : i32
        %swap3A_372 = arith.index_cast %scan3A_308 : i32 to index
        %swap3A_373 = arith.index_cast %swap3A_371 : i32 to index
        %swap3A_374 = arith.constant 16 : index
        %swap3A_375 = tpu.vector_load %arg7[%swap3A_372, %swap3A_373, %swap3A_374] {strides = array<i32>} : memref<32x8x128xf32, #tpu.memory_space<vmem>>, vector<1x1x16xf32>,
        %swap3A_376 = vector.shape_cast %swap3A_375 : vector<1x1x16xf32> to vector<16xf32>
        %swap3A_377 = vector.shape_cast %broadcast_in_dim3A_144 : vector<16xf32> to vector<1x1x16xf32>
        tpu.vector_store %arg7[%swap3A_372, %swap3A_373, %swap3A_374], %swap3A_377 {strides = array<i32>} : memref<32x8x128xf32, #tpu.memory_space<vmem>>, vector<1x1x16xf32>,
        %swap3A_378 = arith.constant 1 : i32
        %swap3A_379 = arith.index_cast %scan3A_308 : i32 to index
        %swap3A_380 = arith.index_cast %swap3A_378 : i32 to index
        %swap3A_381 = arith.constant 32 : index
        %swap3A_382 = tpu.vector_load %arg7[%swap3A_379, %swap3A_380, %swap3A_381] {strides = array<i32>} : memref<32x8x128xf32, #tpu.memory_space<vmem>>, vector<1x1x16xf32>,
        %swap3A_383 = vector.shape_cast %swap3A_382 : vector<1x1x16xf32> to vector<16xf32>
        %swap3A_384 = vector.shape_cast %broadcast_in_dim3A_144 : vector<16xf32> to vector<1x1x16xf32>
        tpu.vector_store %arg7[%swap3A_379, %swap3A_380, %swap3A_381], %swap3A_384 {strides = array<i32>} : memref<32x8x128xf32, #tpu.memory_space<vmem>>, vector<1x1x16xf32>,
        %swap3A_385 = arith.constant 1 : i32
        %swap3A_386 = arith.index_cast %scan3A_308 : i32 to index
        %swap3A_387 = arith.index_cast %swap3A_385 : i32 to index
        %swap3A_388 = arith.constant 48 : index
        %swap3A_389 = tpu.vector_load %arg7[%swap3A_386, %swap3A_387, %swap3A_388] {strides = array<i32>} : memref<32x8x128xf32, #tpu.memory_space<vmem>>, vector<1x1x16xf32>,
        %swap3A_390 = vector.shape_cast %swap3A_389 : vector<1x1x16xf32> to vector<16xf32>
        %swap3A_391 = vector.shape_cast %broadcast_in_dim3A_144 : vector<16xf32> to vector<1x1x16xf32>
        tpu.vector_store %arg7[%swap3A_386, %swap3A_387, %swap3A_388], %swap3A_391 {strides = array<i32>} : memref<32x8x128xf32, #tpu.memory_space<vmem>>, vector<1x1x16xf32>,
        %swap3A_392 = arith.constant 1 : i32
        %swap3A_393 = arith.index_cast %scan3A_308 : i32 to index
        %swap3A_394 = arith.index_cast %swap3A_392 : i32 to index
        %swap3A_395 = arith.constant 64 : index
        %swap3A_396 = tpu.vector_load %arg7[%swap3A_393, %swap3A_394, %swap3A_395] {strides = array<i32>} : memref<32x8x128xf32, #tpu.memory_space<vmem>>, vector<1x1x16xf32>,
        %swap3A_397 = vector.shape_cast %swap3A_396 : vector<1x1x16xf32> to vector<16xf32>
        %swap3A_398 = vector.shape_cast %broadcast_in_dim3A_144 : vector<16xf32> to vector<1x1x16xf32>
        tpu.vector_store %arg7[%swap3A_393, %swap3A_394, %swap3A_395], %swap3A_398 {strides = array<i32>} : memref<32x8x128xf32, #tpu.memory_space<vmem>>, vector<1x1x16xf32>,
        %swap3A_399 = arith.constant 1 : i32
        %swap3A_400 = arith.index_cast %scan3A_308 : i32 to index
        %swap3A_401 = arith.index_cast %swap3A_399 : i32 to index
        %swap3A_402 = arith.constant 80 : index
        %swap3A_403 = tpu.vector_load %arg7[%swap3A_400, %swap3A_401, %swap3A_402] {strides = array<i32>} : memref<32x8x128xf32, #tpu.memory_space<vmem>>, vector<1x1x16xf32>,
        %swap3A_404 = vector.shape_cast %swap3A_403 : vector<1x1x16xf32> to vector<16xf32>
        %swap3A_405 = vector.shape_cast %broadcast_in_dim3A_144 : vector<16xf32> to vector<1x1x16xf32>
        tpu.vector_store %arg7[%swap3A_400, %swap3A_401, %swap3A_402], %swap3A_405 {strides = array<i32>} : memref<32x8x128xf32, #tpu.memory_space<vmem>>, vector<1x1x16xf32>,
        %swap3A_406 = arith.constant 1 : i32
        %swap3A_407 = arith.index_cast %scan3A_308 : i32 to index
        %swap3A_408 = arith.index_cast %swap3A_406 : i32 to index
        %swap3A_409 = arith.constant 96 : index
        %swap3A_410 = tpu.vector_load %arg7[%swap3A_407, %swap3A_408, %swap3A_409] {strides = array<i32>} : memref<32x8x128xf32, #tpu.memory_space<vmem>>, vector<1x1x16xf32>,
        %swap3A_411 = vector.shape_cast %swap3A_410 : vector<1x1x16xf32> to vector<16xf32>
        %swap3A_412 = vector.shape_cast %broadcast_in_dim3A_144 : vector<16xf32> to vector<1x1x16xf32>
        tpu.vector_store %arg7[%swap3A_407, %swap3A_408, %swap3A_409], %swap3A_412 {strides = array<i32>} : memref<32x8x128xf32, #tpu.memory_space<vmem>>, vector<1x1x16xf32>,
        %swap3A_413 = arith.constant 1 : i32
        %swap3A_414 = arith.index_cast %scan3A_308 : i32 to index
        %swap3A_415 = arith.index_cast %swap3A_413 : i32 to index
        %swap3A_416 = arith.constant 112 : index
        %swap3A_417 = tpu.vector_load %arg7[%swap3A_414, %swap3A_415, %swap3A_416] {strides = array<i32>} : memref<32x8x128xf32, #tpu.memory_space<vmem>>, vector<1x1x16xf32>,
        %swap3A_418 = vector.shape_cast %swap3A_417 : vector<1x1x16xf32> to vector<16xf32>
        %swap3A_419 = vector.shape_cast %broadcast_in_dim3A_144 : vector<16xf32> to vector<1x1x16xf32>
        tpu.vector_store %arg7[%swap3A_414, %swap3A_415, %swap3A_416], %swap3A_419 {strides = array<i32>} : memref<32x8x128xf32, #tpu.memory_space<vmem>>, vector<1x1x16xf32>,
        %swap3A_420 = arith.constant 2 : i32
        %swap3A_421 = arith.index_cast %scan3A_308 : i32 to index
        %swap3A_422 = arith.index_cast %swap3A_420 : i32 to index
        %swap3A_423 = arith.constant 0 : index
        %swap3A_424 = tpu.vector_load %arg7[%swap3A_421, %swap3A_422, %swap3A_423] {strides = array<i32>} : memref<32x8x128xf32, #tpu.memory_space<vmem>>, vector<1x1x16xf32>,
        %swap3A_425 = vector.shape_cast %swap3A_424 : vector<1x1x16xf32> to vector<16xf32>
        %swap3A_426 = vector.shape_cast %broadcast_in_dim3A_147 : vector<16xf32> to vector<1x1x16xf32>
        tpu.vector_store %arg7[%swap3A_421, %swap3A_422, %swap3A_423], %swap3A_426 {strides = array<i32>} : memref<32x8x128xf32, #tpu.memory_space<vmem>>, vector<1x1x16xf32>,
        %swap3A_427 = arith.constant 2 : i32
        %swap3A_428 = arith.index_cast %scan3A_308 : i32 to index
        %swap3A_429 = arith.index_cast %swap3A_427 : i32 to index
        %swap3A_430 = arith.constant 16 : index
        %swap3A_431 = tpu.vector_load %arg7[%swap3A_428, %swap3A_429, %swap3A_430] {strides = array<i32>} : memref<32x8x128xf32, #tpu.memory_space<vmem>>, vector<1x1x16xf32>,
        %swap3A_432 = vector.shape_cast %swap3A_431 : vector<1x1x16xf32> to vector<16xf32>
        %swap3A_433 = vector.shape_cast %broadcast_in_dim3A_147 : vector<16xf32> to vector<1x1x16xf32>
        tpu.vector_store %arg7[%swap3A_428, %swap3A_429, %swap3A_430], %swap3A_433 {strides = array<i32>} : memref<32x8x128xf32, #tpu.memory_space<vmem>>, vector<1x1x16xf32>,
        %swap3A_434 = arith.constant 2 : i32
        %swap3A_435 = arith.index_cast %scan3A_308 : i32 to index
        %swap3A_436 = arith.index_cast %swap3A_434 : i32 to index
        %swap3A_437 = arith.constant 32 : index
        %swap3A_438 = tpu.vector_load %arg7[%swap3A_435, %swap3A_436, %swap3A_437] {strides = array<i32>} : memref<32x8x128xf32, #tpu.memory_space<vmem>>, vector<1x1x16xf32>,
        %swap3A_439 = vector.shape_cast %swap3A_438 : vector<1x1x16xf32> to vector<16xf32>
        %swap3A_440 = vector.shape_cast %broadcast_in_dim3A_147 : vector<16xf32> to vector<1x1x16xf32>
        tpu.vector_store %arg7[%swap3A_435, %swap3A_436, %swap3A_437], %swap3A_440 {strides = array<i32>} : memref<32x8x128xf32, #tpu.memory_space<vmem>>, vector<1x1x16xf32>,
        %swap3A_441 = arith.constant 2 : i32
        %swap3A_442 = arith.index_cast %scan3A_308 : i32 to index
        %swap3A_443 = arith.index_cast %swap3A_441 : i32 to index
        %swap3A_444 = arith.constant 48 : index
        %swap3A_445 = tpu.vector_load %arg7[%swap3A_442, %swap3A_443, %swap3A_444] {strides = array<i32>} : memref<32x8x128xf32, #tpu.memory_space<vmem>>, vector<1x1x16xf32>,
        %swap3A_446 = vector.shape_cast %swap3A_445 : vector<1x1x16xf32> to vector<16xf32>
        %swap3A_447 = vector.shape_cast %broadcast_in_dim3A_147 : vector<16xf32> to vector<1x1x16xf32>
        tpu.vector_store %arg7[%swap3A_442, %swap3A_443, %swap3A_444], %swap3A_447 {strides = array<i32>} : memref<32x8x128xf32, #tpu.memory_space<vmem>>, vector<1x1x16xf32>,
        %swap3A_448 = arith.constant 2 : i32
        %swap3A_449 = arith.index_cast %scan3A_308 : i32 to index
        %swap3A_450 = arith.index_cast %swap3A_448 : i32 to index
        %swap3A_451 = arith.constant 64 : index
        %swap3A_452 = tpu.vector_load %arg7[%swap3A_449, %swap3A_450, %swap3A_451] {strides = array<i32>} : memref<32x8x128xf32, #tpu.memory_space<vmem>>, vector<1x1x16xf32>,
        %swap3A_453 = vector.shape_cast %swap3A_452 : vector<1x1x16xf32> to vector<16xf32>
        %swap3A_454 = vector.shape_cast %broadcast_in_dim3A_147 : vector<16xf32> to vector<1x1x16xf32>
        tpu.vector_store %arg7[%swap3A_449, %swap3A_450, %swap3A_451], %swap3A_454 {strides = array<i32>} : memref<32x8x128xf32, #tpu.memory_space<vmem>>, vector<1x1x16xf32>,
        %swap3A_455 = arith.constant 2 : i32
        %swap3A_456 = arith.index_cast %scan3A_308 : i32 to index
        %swap3A_457 = arith.index_cast %swap3A_455 : i32 to index
        %swap3A_458 = arith.constant 80 : index
        %swap3A_459 = tpu.vector_load %arg7[%swap3A_456, %swap3A_457, %swap3A_458] {strides = array<i32>} : memref<32x8x128xf32, #tpu.memory_space<vmem>>, vector<1x1x16xf32>,
        %swap3A_460 = vector.shape_cast %swap3A_459 : vector<1x1x16xf32> to vector<16xf32>
        %swap3A_461 = vector.shape_cast %broadcast_in_dim3A_147 : vector<16xf32> to vector<1x1x16xf32>
        tpu.vector_store %arg7[%swap3A_456, %swap3A_457, %swap3A_458], %swap3A_461 {strides = array<i32>} : memref<32x8x128xf32, #tpu.memory_space<vmem>>, vector<1x1x16xf32>,
        %swap3A_462 = arith.constant 2 : i32
        %swap3A_463 = arith.index_cast %scan3A_308 : i32 to index
        %swap3A_464 = arith.index_cast %swap3A_462 : i32 to index
        %swap3A_465 = arith.constant 96 : index
        %swap3A_466 = tpu.vector_load %arg7[%swap3A_463, %swap3A_464, %swap3A_465] {strides = array<i32>} : memref<32x8x128xf32, #tpu.memory_space<vmem>>, vector<1x1x16xf32>,
        %swap3A_467 = vector.shape_cast %swap3A_466 : vector<1x1x16xf32> to vector<16xf32>
        %swap3A_468 = vector.shape_cast %broadcast_in_dim3A_147 : vector<16xf32> to vector<1x1x16xf32>
        tpu.vector_store %arg7[%swap3A_463, %swap3A_464, %swap3A_465], %swap3A_468 {strides = array<i32>} : memref<32x8x128xf32, #tpu.memory_space<vmem>>, vector<1x1x16xf32>,
        %swap3A_469 = arith.constant 2 : i32
        %swap3A_470 = arith.index_cast %scan3A_308 : i32 to index
        %swap3A_471 = arith.index_cast %swap3A_469 : i32 to index
        %swap3A_472 = arith.constant 112 : index
        %swap3A_473 = tpu.vector_load %arg7[%swap3A_470, %swap3A_471, %swap3A_472] {strides = array<i32>} : memref<32x8x128xf32, #tpu.memory_space<vmem>>, vector<1x1x16xf32>,
        %swap3A_474 = vector.shape_cast %swap3A_473 : vector<1x1x16xf32> to vector<16xf32>
        %swap3A_475 = vector.shape_cast %broadcast_in_dim3A_147 : vector<16xf32> to vector<1x1x16xf32>
        tpu.vector_store %arg7[%swap3A_470, %swap3A_471, %swap3A_472], %swap3A_475 {strides = array<i32>} : memref<32x8x128xf32, #tpu.memory_space<vmem>>, vector<1x1x16xf32>,
        %swap3A_476 = arith.constant 3 : i32
        %swap3A_477 = arith.index_cast %scan3A_308 : i32 to index
        %swap3A_478 = arith.index_cast %swap3A_476 : i32 to index
        %swap3A_479 = arith.constant 0 : index
        %swap3A_480 = tpu.vector_load %arg7[%swap3A_477, %swap3A_478, %swap3A_479] {strides = array<i32>} : memref<32x8x128xf32, #tpu.memory_space<vmem>>, vector<1x1x16xf32>,
        %swap3A_481 = vector.shape_cast %swap3A_480 : vector<1x1x16xf32> to vector<16xf32>
        %swap3A_482 = vector.shape_cast %broadcast_in_dim3A_150 : vector<16xf32> to vector<1x1x16xf32>
        tpu.vector_store %arg7[%swap3A_477, %swap3A_478, %swap3A_479], %swap3A_482 {strides = array<i32>} : memref<32x8x128xf32, #tpu.memory_space<vmem>>, vector<1x1x16xf32>,
        %swap3A_483 = arith.constant 3 : i32
        %swap3A_484 = arith.index_cast %scan3A_308 : i32 to index
        %swap3A_485 = arith.index_cast %swap3A_483 : i32 to index
        %swap3A_486 = arith.constant 16 : index
        %swap3A_487 = tpu.vector_load %arg7[%swap3A_484, %swap3A_485, %swap3A_486] {strides = array<i32>} : memref<32x8x128xf32, #tpu.memory_space<vmem>>, vector<1x1x16xf32>,
        %swap3A_488 = vector.shape_cast %swap3A_487 : vector<1x1x16xf32> to vector<16xf32>
        %swap3A_489 = vector.shape_cast %broadcast_in_dim3A_150 : vector<16xf32> to vector<1x1x16xf32>
        tpu.vector_store %arg7[%swap3A_484, %swap3A_485, %swap3A_486], %swap3A_489 {strides = array<i32>} : memref<32x8x128xf32, #tpu.memory_space<vmem>>, vector<1x1x16xf32>,
        %swap3A_490 = arith.constant 3 : i32
        %swap3A_491 = arith.index_cast %scan3A_308 : i32 to index
        %swap3A_492 = arith.index_cast %swap3A_490 : i32 to index
        %swap3A_493 = arith.constant 32 : index
        %swap3A_494 = tpu.vector_load %arg7[%swap3A_491, %swap3A_492, %swap3A_493] {strides = array<i32>} : memref<32x8x128xf32, #tpu.memory_space<vmem>>, vector<1x1x16xf32>,
        %swap3A_495 = vector.shape_cast %swap3A_494 : vector<1x1x16xf32> to vector<16xf32>
        %swap3A_496 = vector.shape_cast %broadcast_in_dim3A_150 : vector<16xf32> to vector<1x1x16xf32>
        tpu.vector_store %arg7[%swap3A_491, %swap3A_492, %swap3A_493], %swap3A_496 {strides = array<i32>} : memref<32x8x128xf32, #tpu.memory_space<vmem>>, vector<1x1x16xf32>,
        %swap3A_497 = arith.constant 3 : i32
        %swap3A_498 = arith.index_cast %scan3A_308 : i32 to index
        %swap3A_499 = arith.index_cast %swap3A_497 : i32 to index
        %swap3A_500 = arith.constant 48 : index
        %swap3A_501 = tpu.vector_load %arg7[%swap3A_498, %swap3A_499, %swap3A_500] {strides = array<i32>} : memref<32x8x128xf32, #tpu.memory_space<vmem>>, vector<1x1x16xf32>,
        %swap3A_502 = vector.shape_cast %swap3A_501 : vector<1x1x16xf32> to vector<16xf32>
        %swap3A_503 = vector.shape_cast %broadcast_in_dim3A_150 : vector<16xf32> to vector<1x1x16xf32>
        tpu.vector_store %arg7[%swap3A_498, %swap3A_499, %swap3A_500], %swap3A_503 {strides = array<i32>} : memref<32x8x128xf32, #tpu.memory_space<vmem>>, vector<1x1x16xf32>,
        %swap3A_504 = arith.constant 3 : i32
        %swap3A_505 = arith.index_cast %scan3A_308 : i32 to index
        %swap3A_506 = arith.index_cast %swap3A_504 : i32 to index
        %swap3A_507 = arith.constant 64 : index
        %swap3A_508 = tpu.vector_load %arg7[%swap3A_505, %swap3A_506, %swap3A_507] {strides = array<i32>} : memref<32x8x128xf32, #tpu.memory_space<vmem>>, vector<1x1x16xf32>,
        %swap3A_509 = vector.shape_cast %swap3A_508 : vector<1x1x16xf32> to vector<16xf32>
        %swap3A_510 = vector.shape_cast %broadcast_in_dim3A_150 : vector<16xf32> to vector<1x1x16xf32>
        tpu.vector_store %arg7[%swap3A_505, %swap3A_506, %swap3A_507], %swap3A_510 {strides = array<i32>} : memref<32x8x128xf32, #tpu.memory_space<vmem>>, vector<1x1x16xf32>,
        %swap3A_511 = arith.constant 3 : i32
        %swap3A_512 = arith.index_cast %scan3A_308 : i32 to index
        %swap3A_513 = arith.index_cast %swap3A_511 : i32 to index
        %swap3A_514 = arith.constant 80 : index
        %swap3A_515 = tpu.vector_load %arg7[%swap3A_512, %swap3A_513, %swap3A_514] {strides = array<i32>} : memref<32x8x128xf32, #tpu.memory_space<vmem>>, vector<1x1x16xf32>,
        %swap3A_516 = vector.shape_cast %swap3A_515 : vector<1x1x16xf32> to vector<16xf32>
        %swap3A_517 = vector.shape_cast %broadcast_in_dim3A_150 : vector<16xf32> to vector<1x1x16xf32>
        tpu.vector_store %arg7[%swap3A_512, %swap3A_513, %swap3A_514], %swap3A_517 {strides = array<i32>} : memref<32x8x128xf32, #tpu.memory_space<vmem>>, vector<1x1x16xf32>,
        %swap3A_518 = arith.constant 3 : i32
        %swap3A_519 = arith.index_cast %scan3A_308 : i32 to index
        %swap3A_520 = arith.index_cast %swap3A_518 : i32 to index
        %swap3A_521 = arith.constant 96 : index
        %swap3A_522 = tpu.vector_load %arg7[%swap3A_519, %swap3A_520, %swap3A_521] {strides = array<i32>} : memref<32x8x128xf32, #tpu.memory_space<vmem>>, vector<1x1x16xf32>,
        %swap3A_523 = vector.shape_cast %swap3A_522 : vector<1x1x16xf32> to vector<16xf32>
        %swap3A_524 = vector.shape_cast %broadcast_in_dim3A_150 : vector<16xf32> to vector<1x1x16xf32>
        tpu.vector_store %arg7[%swap3A_519, %swap3A_520, %swap3A_521], %swap3A_524 {strides = array<i32>} : memref<32x8x128xf32, #tpu.memory_space<vmem>>, vector<1x1x16xf32>,
        %swap3A_525 = arith.constant 3 : i32
        %swap3A_526 = arith.index_cast %scan3A_308 : i32 to index
        %swap3A_527 = arith.index_cast %swap3A_525 : i32 to index
        %swap3A_528 = arith.constant 112 : index
        %swap3A_529 = tpu.vector_load %arg7[%swap3A_526, %swap3A_527, %swap3A_528] {strides = array<i32>} : memref<32x8x128xf32, #tpu.memory_space<vmem>>, vector<1x1x16xf32>,
        %swap3A_530 = vector.shape_cast %swap3A_529 : vector<1x1x16xf32> to vector<16xf32>
        %swap3A_531 = vector.shape_cast %broadcast_in_dim3A_150 : vector<16xf32> to vector<1x1x16xf32>
        tpu.vector_store %arg7[%swap3A_526, %swap3A_527, %swap3A_528], %swap3A_531 {strides = array<i32>} : memref<32x8x128xf32, #tpu.memory_space<vmem>>, vector<1x1x16xf32>,
        %swap3A_532 = arith.constant 4 : i32
        %swap3A_533 = arith.index_cast %scan3A_308 : i32 to index
        %swap3A_534 = arith.index_cast %swap3A_532 : i32 to index
        %swap3A_535 = arith.constant 0 : index
        %swap3A_536 = tpu.vector_load %arg7[%swap3A_533, %swap3A_534, %swap3A_535] {strides = array<i32>} : memref<32x8x128xf32, #tpu.memory_space<vmem>>, vector<1x1x16xf32>,
        %swap3A_537 = vector.shape_cast %swap3A_536 : vector<1x1x16xf32> to vector<16xf32>
        %swap3A_538 = vector.shape_cast %broadcast_in_dim3A_153 : vector<16xf32> to vector<1x1x16xf32>
        tpu.vector_store %arg7[%swap3A_533, %swap3A_534, %swap3A_535], %swap3A_538 {strides = array<i32>} : memref<32x8x128xf32, #tpu.memory_space<vmem>>, vector<1x1x16xf32>,
        %swap3A_539 = arith.constant 4 : i32
        %swap3A_540 = arith.index_cast %scan3A_308 : i32 to index
        %swap3A_541 = arith.index_cast %swap3A_539 : i32 to index
        %swap3A_542 = arith.constant 16 : index
        %swap3A_543 = tpu.vector_load %arg7[%swap3A_540, %swap3A_541, %swap3A_542] {strides = array<i32>} : memref<32x8x128xf32, #tpu.memory_space<vmem>>, vector<1x1x16xf32>,
        %swap3A_544 = vector.shape_cast %swap3A_543 : vector<1x1x16xf32> to vector<16xf32>
        %swap3A_545 = vector.shape_cast %broadcast_in_dim3A_153 : vector<16xf32> to vector<1x1x16xf32>
        tpu.vector_store %arg7[%swap3A_540, %swap3A_541, %swap3A_542], %swap3A_545 {strides = array<i32>} : memref<32x8x128xf32, #tpu.memory_space<vmem>>, vector<1x1x16xf32>,
        %swap3A_546 = arith.constant 4 : i32
        %swap3A_547 = arith.index_cast %scan3A_308 : i32 to index
        %swap3A_548 = arith.index_cast %swap3A_546 : i32 to index
        %swap3A_549 = arith.constant 32 : index
        %swap3A_550 = tpu.vector_load %arg7[%swap3A_547, %swap3A_548, %swap3A_549] {strides = array<i32>} : memref<32x8x128xf32, #tpu.memory_space<vmem>>, vector<1x1x16xf32>,
        %swap3A_551 = vector.shape_cast %swap3A_550 : vector<1x1x16xf32> to vector<16xf32>
        %swap3A_552 = vector.shape_cast %broadcast_in_dim3A_153 : vector<16xf32> to vector<1x1x16xf32>
        tpu.vector_store %arg7[%swap3A_547, %swap3A_548, %swap3A_549], %swap3A_552 {strides = array<i32>} : memref<32x8x128xf32, #tpu.memory_space<vmem>>, vector<1x1x16xf32>,
        %swap3A_553 = arith.constant 4 : i32
        %swap3A_554 = arith.index_cast %scan3A_308 : i32 to index
        %swap3A_555 = arith.index_cast %swap3A_553 : i32 to index
        %swap3A_556 = arith.constant 48 : index
        %swap3A_557 = tpu.vector_load %arg7[%swap3A_554, %swap3A_555, %swap3A_556] {strides = array<i32>} : memref<32x8x128xf32, #tpu.memory_space<vmem>>, vector<1x1x16xf32>,
        %swap3A_558 = vector.shape_cast %swap3A_557 : vector<1x1x16xf32> to vector<16xf32>
        %swap3A_559 = vector.shape_cast %broadcast_in_dim3A_153 : vector<16xf32> to vector<1x1x16xf32>
        tpu.vector_store %arg7[%swap3A_554, %swap3A_555, %swap3A_556], %swap3A_559 {strides = array<i32>} : memref<32x8x128xf32, #tpu.memory_space<vmem>>, vector<1x1x16xf32>,
        %swap3A_560 = arith.constant 4 : i32
        %swap3A_561 = arith.index_cast %scan3A_308 : i32 to index
        %swap3A_562 = arith.index_cast %swap3A_560 : i32 to index
        %swap3A_563 = arith.constant 64 : index
        %swap3A_564 = tpu.vector_load %arg7[%swap3A_561, %swap3A_562, %swap3A_563] {strides = array<i32>} : memref<32x8x128xf32, #tpu.memory_space<vmem>>, vector<1x1x16xf32>,
        %swap3A_565 = vector.shape_cast %swap3A_564 : vector<1x1x16xf32> to vector<16xf32>
        %swap3A_566 = vector.shape_cast %broadcast_in_dim3A_153 : vector<16xf32> to vector<1x1x16xf32>
        tpu.vector_store %arg7[%swap3A_561, %swap3A_562, %swap3A_563], %swap3A_566 {strides = array<i32>} : memref<32x8x128xf32, #tpu.memory_space<vmem>>, vector<1x1x16xf32>,
        %swap3A_567 = arith.constant 4 : i32
        %swap3A_568 = arith.index_cast %scan3A_308 : i32 to index
        %swap3A_569 = arith.index_cast %swap3A_567 : i32 to index
        %swap3A_570 = arith.constant 80 : index
        %swap3A_571 = tpu.vector_load %arg7[%swap3A_568, %swap3A_569, %swap3A_570] {strides = array<i32>} : memref<32x8x128xf32, #tpu.memory_space<vmem>>, vector<1x1x16xf32>,
        %swap3A_572 = vector.shape_cast %swap3A_571 : vector<1x1x16xf32> to vector<16xf32>
        %swap3A_573 = vector.shape_cast %broadcast_in_dim3A_153 : vector<16xf32> to vector<1x1x16xf32>
        tpu.vector_store %arg7[%swap3A_568, %swap3A_569, %swap3A_570], %swap3A_573 {strides = array<i32>} : memref<32x8x128xf32, #tpu.memory_space<vmem>>, vector<1x1x16xf32>,
        %swap3A_574 = arith.constant 4 : i32
        %swap3A_575 = arith.index_cast %scan3A_308 : i32 to index
        %swap3A_576 = arith.index_cast %swap3A_574 : i32 to index
        %swap3A_577 = arith.constant 96 : index
        %swap3A_578 = tpu.vector_load %arg7[%swap3A_575, %swap3A_576, %swap3A_577] {strides = array<i32>} : memref<32x8x128xf32, #tpu.memory_space<vmem>>, vector<1x1x16xf32>,
        %swap3A_579 = vector.shape_cast %swap3A_578 : vector<1x1x16xf32> to vector<16xf32>
        %swap3A_580 = vector.shape_cast %broadcast_in_dim3A_153 : vector<16xf32> to vector<1x1x16xf32>
        tpu.vector_store %arg7[%swap3A_575, %swap3A_576, %swap3A_577], %swap3A_580 {strides = array<i32>} : memref<32x8x128xf32, #tpu.memory_space<vmem>>, vector<1x1x16xf32>,
        %swap3A_581 = arith.constant 4 : i32
        %swap3A_582 = arith.index_cast %scan3A_308 : i32 to index
        %swap3A_583 = arith.index_cast %swap3A_581 : i32 to index
        %swap3A_584 = arith.constant 112 : index
        %swap3A_585 = tpu.vector_load %arg7[%swap3A_582, %swap3A_583, %swap3A_584] {strides = array<i32>} : memref<32x8x128xf32, #tpu.memory_space<vmem>>, vector<1x1x16xf32>,
        %swap3A_586 = vector.shape_cast %swap3A_585 : vector<1x1x16xf32> to vector<16xf32>
        %swap3A_587 = vector.shape_cast %broadcast_in_dim3A_153 : vector<16xf32> to vector<1x1x16xf32>
        tpu.vector_store %arg7[%swap3A_582, %swap3A_583, %swap3A_584], %swap3A_587 {strides = array<i32>} : memref<32x8x128xf32, #tpu.memory_space<vmem>>, vector<1x1x16xf32>,
        %swap3A_588 = arith.constant 5 : i32
        %swap3A_589 = arith.index_cast %scan3A_308 : i32 to index
        %swap3A_590 = arith.index_cast %swap3A_588 : i32 to index
        %swap3A_591 = arith.constant 0 : index
        %swap3A_592 = tpu.vector_load %arg7[%swap3A_589, %swap3A_590, %swap3A_591] {strides = array<i32>} : memref<32x8x128xf32, #tpu.memory_space<vmem>>, vector<1x1x16xf32>,
        %swap3A_593 = vector.shape_cast %swap3A_592 : vector<1x1x16xf32> to vector<16xf32>
        %swap3A_594 = vector.shape_cast %broadcast_in_dim3A_156 : vector<16xf32> to vector<1x1x16xf32>
        tpu.vector_store %arg7[%swap3A_589, %swap3A_590, %swap3A_591], %swap3A_594 {strides = array<i32>} : memref<32x8x128xf32, #tpu.memory_space<vmem>>, vector<1x1x16xf32>,
        %swap3A_595 = arith.constant 5 : i32
        %swap3A_596 = arith.index_cast %scan3A_308 : i32 to index
        %swap3A_597 = arith.index_cast %swap3A_595 : i32 to index
        %swap3A_598 = arith.constant 16 : index
        %swap3A_599 = tpu.vector_load %arg7[%swap3A_596, %swap3A_597, %swap3A_598] {strides = array<i32>} : memref<32x8x128xf32, #tpu.memory_space<vmem>>, vector<1x1x16xf32>,
        %swap3A_600 = vector.shape_cast %swap3A_599 : vector<1x1x16xf32> to vector<16xf32>
        %swap3A_601 = vector.shape_cast %broadcast_in_dim3A_156 : vector<16xf32> to vector<1x1x16xf32>
        tpu.vector_store %arg7[%swap3A_596, %swap3A_597, %swap3A_598], %swap3A_601 {strides = array<i32>} : memref<32x8x128xf32, #tpu.memory_space<vmem>>, vector<1x1x16xf32>,
        %swap3A_602 = arith.constant 5 : i32
        %swap3A_603 = arith.index_cast %scan3A_308 : i32 to index
        %swap3A_604 = arith.index_cast %swap3A_602 : i32 to index
        %swap3A_605 = arith.constant 32 : index
        %swap3A_606 = tpu.vector_load %arg7[%swap3A_603, %swap3A_604, %swap3A_605] {strides = array<i32>} : memref<32x8x128xf32, #tpu.memory_space<vmem>>, vector<1x1x16xf32>,
        %swap3A_607 = vector.shape_cast %swap3A_606 : vector<1x1x16xf32> to vector<16xf32>
        %swap3A_608 = vector.shape_cast %broadcast_in_dim3A_156 : vector<16xf32> to vector<1x1x16xf32>
        tpu.vector_store %arg7[%swap3A_603, %swap3A_604, %swap3A_605], %swap3A_608 {strides = array<i32>} : memref<32x8x128xf32, #tpu.memory_space<vmem>>, vector<1x1x16xf32>,
        %swap3A_609 = arith.constant 5 : i32
        %swap3A_610 = arith.index_cast %scan3A_308 : i32 to index
        %swap3A_611 = arith.index_cast %swap3A_609 : i32 to index
        %swap3A_612 = arith.constant 48 : index
        %swap3A_613 = tpu.vector_load %arg7[%swap3A_610, %swap3A_611, %swap3A_612] {strides = array<i32>} : memref<32x8x128xf32, #tpu.memory_space<vmem>>, vector<1x1x16xf32>,
        %swap3A_614 = vector.shape_cast %swap3A_613 : vector<1x1x16xf32> to vector<16xf32>
        %swap3A_615 = vector.shape_cast %broadcast_in_dim3A_156 : vector<16xf32> to vector<1x1x16xf32>
        tpu.vector_store %arg7[%swap3A_610, %swap3A_611, %swap3A_612], %swap3A_615 {strides = array<i32>} : memref<32x8x128xf32, #tpu.memory_space<vmem>>, vector<1x1x16xf32>,
        %swap3A_616 = arith.constant 5 : i32
        %swap3A_617 = arith.index_cast %scan3A_308 : i32 to index
        %swap3A_618 = arith.index_cast %swap3A_616 : i32 to index
        %swap3A_619 = arith.constant 64 : index
        %swap3A_620 = tpu.vector_load %arg7[%swap3A_617, %swap3A_618, %swap3A_619] {strides = array<i32>} : memref<32x8x128xf32, #tpu.memory_space<vmem>>, vector<1x1x16xf32>,
        %swap3A_621 = vector.shape_cast %swap3A_620 : vector<1x1x16xf32> to vector<16xf32>
        %swap3A_622 = vector.shape_cast %broadcast_in_dim3A_156 : vector<16xf32> to vector<1x1x16xf32>
        tpu.vector_store %arg7[%swap3A_617, %swap3A_618, %swap3A_619], %swap3A_622 {strides = array<i32>} : memref<32x8x128xf32, #tpu.memory_space<vmem>>, vector<1x1x16xf32>,
        %swap3A_623 = arith.constant 5 : i32
        %swap3A_624 = arith.index_cast %scan3A_308 : i32 to index
        %swap3A_625 = arith.index_cast %swap3A_623 : i32 to index
        %swap3A_626 = arith.constant 80 : index
        %swap3A_627 = tpu.vector_load %arg7[%swap3A_624, %swap3A_625, %swap3A_626] {strides = array<i32>} : memref<32x8x128xf32, #tpu.memory_space<vmem>>, vector<1x1x16xf32>,
        %swap3A_628 = vector.shape_cast %swap3A_627 : vector<1x1x16xf32> to vector<16xf32>
        %swap3A_629 = vector.shape_cast %broadcast_in_dim3A_156 : vector<16xf32> to vector<1x1x16xf32>
        tpu.vector_store %arg7[%swap3A_624, %swap3A_625, %swap3A_626], %swap3A_629 {strides = array<i32>} : memref<32x8x128xf32, #tpu.memory_space<vmem>>, vector<1x1x16xf32>,
        %swap3A_630 = arith.constant 5 : i32
        %swap3A_631 = arith.index_cast %scan3A_308 : i32 to index
        %swap3A_632 = arith.index_cast %swap3A_630 : i32 to index
        %swap3A_633 = arith.constant 96 : index
        %swap3A_634 = tpu.vector_load %arg7[%swap3A_631, %swap3A_632, %swap3A_633] {strides = array<i32>} : memref<32x8x128xf32, #tpu.memory_space<vmem>>, vector<1x1x16xf32>,
        %swap3A_635 = vector.shape_cast %swap3A_634 : vector<1x1x16xf32> to vector<16xf32>
        %swap3A_636 = vector.shape_cast %broadcast_in_dim3A_156 : vector<16xf32> to vector<1x1x16xf32>
        tpu.vector_store %arg7[%swap3A_631, %swap3A_632, %swap3A_633], %swap3A_636 {strides = array<i32>} : memref<32x8x128xf32, #tpu.memory_space<vmem>>, vector<1x1x16xf32>,
        %swap3A_637 = arith.constant 5 : i32
        %swap3A_638 = arith.index_cast %scan3A_308 : i32 to index
        %swap3A_639 = arith.index_cast %swap3A_637 : i32 to index
        %swap3A_640 = arith.constant 112 : index
        %swap3A_641 = tpu.vector_load %arg7[%swap3A_638, %swap3A_639, %swap3A_640] {strides = array<i32>} : memref<32x8x128xf32, #tpu.memory_space<vmem>>, vector<1x1x16xf32>,
        %swap3A_642 = vector.shape_cast %swap3A_641 : vector<1x1x16xf32> to vector<16xf32>
        %swap3A_643 = vector.shape_cast %broadcast_in_dim3A_156 : vector<16xf32> to vector<1x1x16xf32>
        tpu.vector_store %arg7[%swap3A_638, %swap3A_639, %swap3A_640], %swap3A_643 {strides = array<i32>} : memref<32x8x128xf32, #tpu.memory_space<vmem>>, vector<1x1x16xf32>,
        %swap3A_644 = arith.constant 6 : i32
        %swap3A_645 = arith.index_cast %scan3A_308 : i32 to index
        %swap3A_646 = arith.index_cast %swap3A_644 : i32 to index
        %swap3A_647 = arith.constant 0 : index
        %swap3A_648 = tpu.vector_load %arg7[%swap3A_645, %swap3A_646, %swap3A_647] {strides = array<i32>} : memref<32x8x128xf32, #tpu.memory_space<vmem>>, vector<1x1x16xf32>,
        %swap3A_649 = vector.shape_cast %swap3A_648 : vector<1x1x16xf32> to vector<16xf32>
        %swap3A_650 = vector.shape_cast %broadcast_in_dim3A_159 : vector<16xf32> to vector<1x1x16xf32>
        tpu.vector_store %arg7[%swap3A_645, %swap3A_646, %swap3A_647], %swap3A_650 {strides = array<i32>} : memref<32x8x128xf32, #tpu.memory_space<vmem>>, vector<1x1x16xf32>,
        %swap3A_651 = arith.constant 6 : i32
        %swap3A_652 = arith.index_cast %scan3A_308 : i32 to index
        %swap3A_653 = arith.index_cast %swap3A_651 : i32 to index
        %swap3A_654 = arith.constant 16 : index
        %swap3A_655 = tpu.vector_load %arg7[%swap3A_652, %swap3A_653, %swap3A_654] {strides = array<i32>} : memref<32x8x128xf32, #tpu.memory_space<vmem>>, vector<1x1x16xf32>,
        %swap3A_656 = vector.shape_cast %swap3A_655 : vector<1x1x16xf32> to vector<16xf32>
        %swap3A_657 = vector.shape_cast %broadcast_in_dim3A_159 : vector<16xf32> to vector<1x1x16xf32>
        tpu.vector_store %arg7[%swap3A_652, %swap3A_653, %swap3A_654], %swap3A_657 {strides = array<i32>} : memref<32x8x128xf32, #tpu.memory_space<vmem>>, vector<1x1x16xf32>,
        %swap3A_658 = arith.constant 6 : i32
        %swap3A_659 = arith.index_cast %scan3A_308 : i32 to index
        %swap3A_660 = arith.index_cast %swap3A_658 : i32 to index
        %swap3A_661 = arith.constant 32 : index
        %swap3A_662 = tpu.vector_load %arg7[%swap3A_659, %swap3A_660, %swap3A_661] {strides = array<i32>} : memref<32x8x128xf32, #tpu.memory_space<vmem>>, vector<1x1x16xf32>,
        %swap3A_663 = vector.shape_cast %swap3A_662 : vector<1x1x16xf32> to vector<16xf32>
        %swap3A_664 = vector.shape_cast %broadcast_in_dim3A_159 : vector<16xf32> to vector<1x1x16xf32>
        tpu.vector_store %arg7[%swap3A_659, %swap3A_660, %swap3A_661], %swap3A_664 {strides = array<i32>} : memref<32x8x128xf32, #tpu.memory_space<vmem>>, vector<1x1x16xf32>,
        %swap3A_665 = arith.constant 6 : i32
        %swap3A_666 = arith.index_cast %scan3A_308 : i32 to index
        %swap3A_667 = arith.index_cast %swap3A_665 : i32 to index
        %swap3A_668 = arith.constant 48 : index
        %swap3A_669 = tpu.vector_load %arg7[%swap3A_666, %swap3A_667, %swap3A_668] {strides = array<i32>} : memref<32x8x128xf32, #tpu.memory_space<vmem>>, vector<1x1x16xf32>,
        %swap3A_670 = vector.shape_cast %swap3A_669 : vector<1x1x16xf32> to vector<16xf32>
        %swap3A_671 = vector.shape_cast %broadcast_in_dim3A_159 : vector<16xf32> to vector<1x1x16xf32>
        tpu.vector_store %arg7[%swap3A_666, %swap3A_667, %swap3A_668], %swap3A_671 {strides = array<i32>} : memref<32x8x128xf32, #tpu.memory_space<vmem>>, vector<1x1x16xf32>,
        %swap3A_672 = arith.constant 6 : i32
        %swap3A_673 = arith.index_cast %scan3A_308 : i32 to index
        %swap3A_674 = arith.index_cast %swap3A_672 : i32 to index
        %swap3A_675 = arith.constant 64 : index
        %swap3A_676 = tpu.vector_load %arg7[%swap3A_673, %swap3A_674, %swap3A_675] {strides = array<i32>} : memref<32x8x128xf32, #tpu.memory_space<vmem>>, vector<1x1x16xf32>,
        %swap3A_677 = vector.shape_cast %swap3A_676 : vector<1x1x16xf32> to vector<16xf32>
        %swap3A_678 = vector.shape_cast %broadcast_in_dim3A_159 : vector<16xf32> to vector<1x1x16xf32>
        tpu.vector_store %arg7[%swap3A_673, %swap3A_674, %swap3A_675], %swap3A_678 {strides = array<i32>} : memref<32x8x128xf32, #tpu.memory_space<vmem>>, vector<1x1x16xf32>,
        %swap3A_679 = arith.constant 6 : i32
        %swap3A_680 = arith.index_cast %scan3A_308 : i32 to index
        %swap3A_681 = arith.index_cast %swap3A_679 : i32 to index
        %swap3A_682 = arith.constant 80 : index
        %swap3A_683 = tpu.vector_load %arg7[%swap3A_680, %swap3A_681, %swap3A_682] {strides = array<i32>} : memref<32x8x128xf32, #tpu.memory_space<vmem>>, vector<1x1x16xf32>,
        %swap3A_684 = vector.shape_cast %swap3A_683 : vector<1x1x16xf32> to vector<16xf32>
        %swap3A_685 = vector.shape_cast %broadcast_in_dim3A_159 : vector<16xf32> to vector<1x1x16xf32>
        tpu.vector_store %arg7[%swap3A_680, %swap3A_681, %swap3A_682], %swap3A_685 {strides = array<i32>} : memref<32x8x128xf32, #tpu.memory_space<vmem>>, vector<1x1x16xf32>,
        %swap3A_686 = arith.constant 6 : i32
        %swap3A_687 = arith.index_cast %scan3A_308 : i32 to index
        %swap3A_688 = arith.index_cast %swap3A_686 : i32 to index
        %swap3A_689 = arith.constant 96 : index
        %swap3A_690 = tpu.vector_load %arg7[%swap3A_687, %swap3A_688, %swap3A_689] {strides = array<i32>} : memref<32x8x128xf32, #tpu.memory_space<vmem>>, vector<1x1x16xf32>,
        %swap3A_691 = vector.shape_cast %swap3A_690 : vector<1x1x16xf32> to vector<16xf32>
        %swap3A_692 = vector.shape_cast %broadcast_in_dim3A_159 : vector<16xf32> to vector<1x1x16xf32>
        tpu.vector_store %arg7[%swap3A_687, %swap3A_688, %swap3A_689], %swap3A_692 {strides = array<i32>} : memref<32x8x128xf32, #tpu.memory_space<vmem>>, vector<1x1x16xf32>,
        %swap3A_693 = arith.constant 6 : i32
        %swap3A_694 = arith.index_cast %scan3A_308 : i32 to index
        %swap3A_695 = arith.index_cast %swap3A_693 : i32 to index
        %swap3A_696 = arith.constant 112 : index
        %swap3A_697 = tpu.vector_load %arg7[%swap3A_694, %swap3A_695, %swap3A_696] {strides = array<i32>} : memref<32x8x128xf32, #tpu.memory_space<vmem>>, vector<1x1x16xf32>,
        %swap3A_698 = vector.shape_cast %swap3A_697 : vector<1x1x16xf32> to vector<16xf32>
        %swap3A_699 = vector.shape_cast %broadcast_in_dim3A_159 : vector<16xf32> to vector<1x1x16xf32>
        tpu.vector_store %arg7[%swap3A_694, %swap3A_695, %swap3A_696], %swap3A_699 {strides = array<i32>} : memref<32x8x128xf32, #tpu.memory_space<vmem>>, vector<1x1x16xf32>,
        %swap3A_700 = arith.constant 7 : i32
        %swap3A_701 = arith.index_cast %scan3A_308 : i32 to index
        %swap3A_702 = arith.index_cast %swap3A_700 : i32 to index
        %swap3A_703 = arith.constant 0 : index
        %swap3A_704 = tpu.vector_load %arg7[%swap3A_701, %swap3A_702, %swap3A_703] {strides = array<i32>} : memref<32x8x128xf32, #tpu.memory_space<vmem>>, vector<1x1x16xf32>,
        %swap3A_705 = vector.shape_cast %swap3A_704 : vector<1x1x16xf32> to vector<16xf32>
        %swap3A_706 = vector.shape_cast %broadcast_in_dim3A_162 : vector<16xf32> to vector<1x1x16xf32>
        tpu.vector_store %arg7[%swap3A_701, %swap3A_702, %swap3A_703], %swap3A_706 {strides = array<i32>} : memref<32x8x128xf32, #tpu.memory_space<vmem>>, vector<1x1x16xf32>,
        %swap3A_707 = arith.constant 7 : i32
        %swap3A_708 = arith.index_cast %scan3A_308 : i32 to index
        %swap3A_709 = arith.index_cast %swap3A_707 : i32 to index
        %swap3A_710 = arith.constant 16 : index
        %swap3A_711 = tpu.vector_load %arg7[%swap3A_708, %swap3A_709, %swap3A_710] {strides = array<i32>} : memref<32x8x128xf32, #tpu.memory_space<vmem>>, vector<1x1x16xf32>,
        %swap3A_712 = vector.shape_cast %swap3A_711 : vector<1x1x16xf32> to vector<16xf32>
        %swap3A_713 = vector.shape_cast %broadcast_in_dim3A_162 : vector<16xf32> to vector<1x1x16xf32>
        tpu.vector_store %arg7[%swap3A_708, %swap3A_709, %swap3A_710], %swap3A_713 {strides = array<i32>} : memref<32x8x128xf32, #tpu.memory_space<vmem>>, vector<1x1x16xf32>,
        %swap3A_714 = arith.constant 7 : i32
        %swap3A_715 = arith.index_cast %scan3A_308 : i32 to index
        %swap3A_716 = arith.index_cast %swap3A_714 : i32 to index
        %swap3A_717 = arith.constant 32 : index
        %swap3A_718 = tpu.vector_load %arg7[%swap3A_715, %swap3A_716, %swap3A_717] {strides = array<i32>} : memref<32x8x128xf32, #tpu.memory_space<vmem>>, vector<1x1x16xf32>,
        %swap3A_719 = vector.shape_cast %swap3A_718 : vector<1x1x16xf32> to vector<16xf32>
        %swap3A_720 = vector.shape_cast %broadcast_in_dim3A_162 : vector<16xf32> to vector<1x1x16xf32>
        tpu.vector_store %arg7[%swap3A_715, %swap3A_716, %swap3A_717], %swap3A_720 {strides = array<i32>} : memref<32x8x128xf32, #tpu.memory_space<vmem>>, vector<1x1x16xf32>,
        %swap3A_721 = arith.constant 7 : i32
        %swap3A_722 = arith.index_cast %scan3A_308 : i32 to index
        %swap3A_723 = arith.index_cast %swap3A_721 : i32 to index
        %swap3A_724 = arith.constant 48 : index
        %swap3A_725 = tpu.vector_load %arg7[%swap3A_722, %swap3A_723, %swap3A_724] {strides = array<i32>} : memref<32x8x128xf32, #tpu.memory_space<vmem>>, vector<1x1x16xf32>,
        %swap3A_726 = vector.shape_cast %swap3A_725 : vector<1x1x16xf32> to vector<16xf32>
        %swap3A_727 = vector.shape_cast %broadcast_in_dim3A_162 : vector<16xf32> to vector<1x1x16xf32>
        tpu.vector_store %arg7[%swap3A_722, %swap3A_723, %swap3A_724], %swap3A_727 {strides = array<i32>} : memref<32x8x128xf32, #tpu.memory_space<vmem>>, vector<1x1x16xf32>,
        %swap3A_728 = arith.constant 7 : i32
        %swap3A_729 = arith.index_cast %scan3A_308 : i32 to index
        %swap3A_730 = arith.index_cast %swap3A_728 : i32 to index
        %swap3A_731 = arith.constant 64 : index
        %swap3A_732 = tpu.vector_load %arg7[%swap3A_729, %swap3A_730, %swap3A_731] {strides = array<i32>} : memref<32x8x128xf32, #tpu.memory_space<vmem>>, vector<1x1x16xf32>,
        %swap3A_733 = vector.shape_cast %swap3A_732 : vector<1x1x16xf32> to vector<16xf32>
        %swap3A_734 = vector.shape_cast %broadcast_in_dim3A_162 : vector<16xf32> to vector<1x1x16xf32>
        tpu.vector_store %arg7[%swap3A_729, %swap3A_730, %swap3A_731], %swap3A_734 {strides = array<i32>} : memref<32x8x128xf32, #tpu.memory_space<vmem>>, vector<1x1x16xf32>,
        %swap3A_735 = arith.constant 7 : i32
        %swap3A_736 = arith.index_cast %scan3A_308 : i32 to index
        %swap3A_737 = arith.index_cast %swap3A_735 : i32 to index
        %swap3A_738 = arith.constant 80 : index
        %swap3A_739 = tpu.vector_load %arg7[%swap3A_736, %swap3A_737, %swap3A_738] {strides = array<i32>} : memref<32x8x128xf32, #tpu.memory_space<vmem>>, vector<1x1x16xf32>,
        %swap3A_740 = vector.shape_cast %swap3A_739 : vector<1x1x16xf32> to vector<16xf32>
        %swap3A_741 = vector.shape_cast %broadcast_in_dim3A_162 : vector<16xf32> to vector<1x1x16xf32>
        tpu.vector_store %arg7[%swap3A_736, %swap3A_737, %swap3A_738], %swap3A_741 {strides = array<i32>} : memref<32x8x128xf32, #tpu.memory_space<vmem>>, vector<1x1x16xf32>,
        %swap3A_742 = arith.constant 7 : i32
        %swap3A_743 = arith.index_cast %scan3A_308 : i32 to index
        %swap3A_744 = arith.index_cast %swap3A_742 : i32 to index
        %swap3A_745 = arith.constant 96 : index
        %swap3A_746 = tpu.vector_load %arg7[%swap3A_743, %swap3A_744, %swap3A_745] {strides = array<i32>} : memref<32x8x128xf32, #tpu.memory_space<vmem>>, vector<1x1x16xf32>,
        %swap3A_747 = vector.shape_cast %swap3A_746 : vector<1x1x16xf32> to vector<16xf32>
        %swap3A_748 = vector.shape_cast %broadcast_in_dim3A_162 : vector<16xf32> to vector<1x1x16xf32>
        tpu.vector_store %arg7[%swap3A_743, %swap3A_744, %swap3A_745], %swap3A_748 {strides = array<i32>} : memref<32x8x128xf32, #tpu.memory_space<vmem>>, vector<1x1x16xf32>,
        %swap3A_749 = arith.constant 7 : i32
        %swap3A_750 = arith.index_cast %scan3A_308 : i32 to index
        %swap3A_751 = arith.index_cast %swap3A_749 : i32 to index
        %swap3A_752 = arith.constant 112 : index
        %swap3A_753 = tpu.vector_load %arg7[%swap3A_750, %swap3A_751, %swap3A_752] {strides = array<i32>} : memref<32x8x128xf32, #tpu.memory_space<vmem>>, vector<1x1x16xf32>,
        %swap3A_754 = vector.shape_cast %swap3A_753 : vector<1x1x16xf32> to vector<16xf32>
        %swap3A_755 = vector.shape_cast %broadcast_in_dim3A_162 : vector<16xf32> to vector<1x1x16xf32>
        tpu.vector_store %arg7[%swap3A_750, %swap3A_751, %swap3A_752], %swap3A_755 {strides = array<i32>} : memref<32x8x128xf32, #tpu.memory_space<vmem>>, vector<1x1x16xf32>,
      }
      %scan3A_168 = arith.constant 32 : i32
      %jit3A_169 = arith.constant 8 : i32
      %div3A_170 = arith.divsi %add3A_139, %jit3A_169 : i32
      %sign3A_171 = arith.constant 0 : i32
      %sign3A_172 = arith.cmpi sgt, %add3A_139, %sign3A_171 : i32
      %sign3A_173 = arith.extui %sign3A_172 : i1 to i32
      %sign3A_174 = arith.constant 0 : i32
      %sign3A_175 = arith.cmpi slt, %add3A_139, %sign3A_174 : i32
      %sign3A_176 = arith.extui %sign3A_175 : i1 to i32
      %sign3A_177 = arith.subi %sign3A_173, %sign3A_176 : i32
      %sign3A_178 = arith.constant 0 : i32
      %sign3A_179 = arith.cmpi sgt, %jit3A_169, %sign3A_178 : i32
      %sign3A_180 = arith.extui %sign3A_179 : i1 to i32
      %sign3A_181 = arith.constant 0 : i32
      %sign3A_182 = arith.cmpi slt, %jit3A_169, %sign3A_181 : i32
      %sign3A_183 = arith.extui %sign3A_182 : i1 to i32
      %sign3A_184 = arith.subi %sign3A_180, %sign3A_183 : i32
      %ne3A_185 = arith.cmpi ne, %sign3A_177, %sign3A_184 : i32
      %rem3A_186 = arith.remsi %add3A_139, %jit3A_169 : i32
      %ne3A_187 = arith.constant 0 : i32
      %ne3A_188 = arith.cmpi ne, %rem3A_186, %ne3A_187 : i32
      %and3A_189 = arith.andi %ne3A_185, %ne3A_188 : i1
      %sub3A_190 = arith.constant 1 : i32
      %sub3A_191 = arith.subi %div3A_170, %sub3A_190 : i32
      %select_n3A_192 = arith.select %and3A_189, %sub3A_191, %div3A_170 : i32
      %jit3A_193 = arith.constant 8 : i32
      %eq3A_194 = arith.constant 0 : i32
      %eq3A_195 = arith.cmpi eq, %jit3A_193, %eq3A_194 : i32
      %jit3A_196 = arith.constant 1 : i32
      %select_n3A_197 = arith.select %eq3A_195, %jit3A_196, %jit3A_193 : i32
      %rem3A_198 = arith.remsi %add3A_139, %select_n3A_197 : i32
      %ne3A_199 = arith.constant 0 : i32
      %ne3A_200 = arith.cmpi ne, %rem3A_198, %ne3A_199 : i32
      %lt3A_201 = arith.constant 0 : i32
      %lt3A_202 = arith.cmpi slt, %rem3A_198, %lt3A_201 : i32
      %lt3A_203 = arith.constant 0 : i32
      %lt3A_204 = arith.cmpi slt, %select_n3A_197, %lt3A_203 : i32
      %ne3A_205 = arith.xori %lt3A_202, %lt3A_204 : i1
      %and3A_206 = arith.andi %ne3A_205, %ne3A_200 : i1
      %add3A_207 = arith.addi %rem3A_198, %select_n3A_197 : i32
      %select_n3A_208 = arith.select %and3A_206, %add3A_207, %rem3A_198 : i32
      %dma_start3A = arith.constant 0 : i32
      %dma_start3A_209 = arith.constant 0 : i32
      %dma_start3A_210 = arith.constant 0 : i32
      %dma_start3A_211 = tpu.memref_slice %arg4[%select_n3A_192, %select_n3A_208, %dma_start3A, %dma_start3A_209, %dma_start3A_210] : memref<200x8x32x8x128xf32, #tpu.memory_space<hbm>> -> memref<1x1x32x8x128xf32, #tpu.memory_space<hbm>>
      %dma_start3A_212 = tpu.memref_squeeze %dma_start3A_211 : memref<1x1x32x8x128xf32, #tpu.memory_space<hbm>> -> memref<32x8x128xf32, #tpu.memory_space<hbm>>
      %dma_start3A_213 = arith.constant 0 : i32
      %dma_start3A_214 = arith.constant 0 : i32
      %dma_start3A_215 = arith.constant 0 : i32
      %dma_start3A_216 = tpu.memref_slice %arg4[%select_n3A_192, %select_n3A_208, %dma_start3A_213, %dma_start3A_214, %dma_start3A_215] : memref<200x8x32x8x128xf32, #tpu.memory_space<hbm>> -> memref<1x1x32x8x128xf32, #tpu.memory_space<hbm>>
      %dma_start3A_217 = tpu.memref_squeeze %dma_start3A_216 : memref<1x1x32x8x128xf32, #tpu.memory_space<hbm>> -> memref<32x8x128xf32, #tpu.memory_space<hbm>>
      tpu.enqueue_dma source(%arg7 : memref<32x8x128xf32, #tpu.memory_space<vmem>>) target(%dma_start3A_217 : memref<32x8x128xf32, #tpu.memory_space<hbm>>) target_semaphore(%arg9 : memref<!tpu.dma_semaphore, #tpu.memory_space<semaphore_mem>>)
      %mul3A_218 = arith.constant 2 : i32
      %mul3A_219 = arith.muli %mul3A_218, %scan3A_107 : i32
      %add3A_220 = arith.addi %mul3A_2, %mul3A_219 : i32
      %add3A_221 = arith.constant 1 : i32
      %add3A_222 = arith.addi %add3A_220, %add3A_221 : i32
      %gt3A_223 = arith.constant 0 : i32
      %gt3A_224 = arith.cmpi sgt, %scan3A_107, %gt3A_223 : i32
      %convert_element_type3A_225 = arith.extui %gt3A_224 : i1 to i32
      %cond3A_226 = arith.constant 0 : i32
      %cond3A_227 = arith.cmpi ne, %convert_element_type3A_225, %cond3A_226 : i32
      scf.if %cond3A_227 {
        %sub3A_308 = arith.constant 2 : i32
        %sub3A_309 = arith.subi %add3A_222, %sub3A_308 : i32
        %jit3A_310 = arith.constant 8 : i32
        %div3A_311 = arith.divsi %sub3A_309, %jit3A_310 : i32
        %sign3A_312 = arith.constant 0 : i32
        %sign3A_313 = arith.cmpi sgt, %sub3A_309, %sign3A_312 : i32
        %sign3A_314 = arith.extui %sign3A_313 : i1 to i32
        %sign3A_315 = arith.constant 0 : i32
        %sign3A_316 = arith.cmpi slt, %sub3A_309, %sign3A_315 : i32
        %sign3A_317 = arith.extui %sign3A_316 : i1 to i32
        %sign3A_318 = arith.subi %sign3A_314, %sign3A_317 : i32
        %sign3A_319 = arith.constant 0 : i32
        %sign3A_320 = arith.cmpi sgt, %jit3A_310, %sign3A_319 : i32
        %sign3A_321 = arith.extui %sign3A_320 : i1 to i32
        %sign3A_322 = arith.constant 0 : i32
        %sign3A_323 = arith.cmpi slt, %jit3A_310, %sign3A_322 : i32
        %sign3A_324 = arith.extui %sign3A_323 : i1 to i32
        %sign3A_325 = arith.subi %sign3A_321, %sign3A_324 : i32
        %ne3A_326 = arith.cmpi ne, %sign3A_318, %sign3A_325 : i32
        %rem3A_327 = arith.remsi %sub3A_309, %jit3A_310 : i32
        %ne3A_328 = arith.constant 0 : i32
        %ne3A_329 = arith.cmpi ne, %rem3A_327, %ne3A_328 : i32
        %and3A_330 = arith.andi %ne3A_326, %ne3A_329 : i1
        %sub3A_331 = arith.constant 1 : i32
        %sub3A_332 = arith.subi %div3A_311, %sub3A_331 : i32
        %select_n3A_333 = arith.select %and3A_330, %sub3A_332, %div3A_311 : i32
        %jit3A_334 = arith.constant 8 : i32
        %eq3A_335 = arith.constant 0 : i32
        %eq3A_336 = arith.cmpi eq, %jit3A_334, %eq3A_335 : i32
        %jit3A_337 = arith.constant 1 : i32
        %select_n3A_338 = arith.select %eq3A_336, %jit3A_337, %jit3A_334 : i32
        %rem3A_339 = arith.remsi %sub3A_309, %select_n3A_338 : i32
        %ne3A_340 = arith.constant 0 : i32
        %ne3A_341 = arith.cmpi ne, %rem3A_339, %ne3A_340 : i32
        %lt3A_342 = arith.constant 0 : i32
        %lt3A_343 = arith.cmpi slt, %rem3A_339, %lt3A_342 : i32
        %lt3A_344 = arith.constant 0 : i32
        %lt3A_345 = arith.cmpi slt, %select_n3A_338, %lt3A_344 : i32
        %ne3A_346 = arith.xori %lt3A_343, %lt3A_345 : i1
        %and3A_347 = arith.andi %ne3A_346, %ne3A_341 : i1
        %add3A_348 = arith.addi %rem3A_339, %select_n3A_338 : i32
        %select_n3A_349 = arith.select %and3A_347, %add3A_348, %rem3A_339 : i32
        %dma_wait3A_350 = arith.constant 0 : i32
        %dma_wait3A_351 = arith.constant 0 : i32
        %dma_wait3A_352 = arith.constant 0 : i32
        %dma_wait3A_353 = tpu.memref_slice %arg4[%select_n3A_333, %select_n3A_349, %dma_wait3A_350, %dma_wait3A_351, %dma_wait3A_352] : memref<200x8x32x8x128xf32, #tpu.memory_space<hbm>> -> memref<1x1x32x8x128xf32, #tpu.memory_space<hbm>>
        %dma_wait3A_354 = tpu.memref_squeeze %dma_wait3A_353 : memref<1x1x32x8x128xf32, #tpu.memory_space<hbm>> -> memref<32x8x128xf32, #tpu.memory_space<hbm>>
        %dma_wait3A_355 = arith.constant 0 : i32
        %dma_wait3A_356 = arith.constant 0 : i32
        %dma_wait3A_357 = arith.constant 0 : i32
        %dma_wait3A_358 = tpu.memref_slice %arg4[%select_n3A_333, %select_n3A_349, %dma_wait3A_355, %dma_wait3A_356, %dma_wait3A_357] : memref<200x8x32x8x128xf32, #tpu.memory_space<hbm>> -> memref<1x1x32x8x128xf32, #tpu.memory_space<hbm>>
        %dma_wait3A_359 = tpu.memref_squeeze %dma_wait3A_358 : memref<1x1x32x8x128xf32, #tpu.memory_space<hbm>> -> memref<32x8x128xf32, #tpu.memory_space<hbm>>
        tpu.wait_dma2 semaphore(%arg10 : memref<!tpu.dma_semaphore, #tpu.memory_space<semaphore_mem>>) src(%arg8 : memref<32x8x128xf32, #tpu.memory_space<vmem>>) dst(%dma_wait3A_359 : memref<32x8x128xf32, #tpu.memory_space<hbm>>)
      } else {
      }
      %slice3A_228 = vector.extract_strided_slice %add3A_134 {offsets = [8], sizes = [1], strides = [1]} : vector<16xf32> to vector<1xf32>
      %squeeze3A_229 = vector.extract %slice3A_228[0] : f32 from vector<1xf32>
      %broadcast_in_dim3A_230 = vector.broadcast %squeeze3A_229 : f32 to vector<16xf32>
      %slice3A_231 = vector.extract_strided_slice %add3A_134 {offsets = [9], sizes = [1], strides = [1]} : vector<16xf32> to vector<1xf32>
      %squeeze3A_232 = vector.extract %slice3A_231[0] : f32 from vector<1xf32>
      %broadcast_in_dim3A_233 = vector.broadcast %squeeze3A_232 : f32 to vector<16xf32>
      %slice3A_234 = vector.extract_strided_slice %add3A_134 {offsets = [10], sizes = [1], strides = [1]} : vector<16xf32> to vector<1xf32>
      %squeeze3A_235 = vector.extract %slice3A_234[0] : f32 from vector<1xf32>
      %broadcast_in_dim3A_236 = vector.broadcast %squeeze3A_235 : f32 to vector<16xf32>
      %slice3A_237 = vector.extract_strided_slice %add3A_134 {offsets = [11], sizes = [1], strides = [1]} : vector<16xf32> to vector<1xf32>
      %squeeze3A_238 = vector.extract %slice3A_237[0] : f32 from vector<1xf32>
      %broadcast_in_dim3A_239 = vector.broadcast %squeeze3A_238 : f32 to vector<16xf32>
      %slice3A_240 = vector.extract_strided_slice %add3A_134 {offsets = [12], sizes = [1], strides = [1]} : vector<16xf32> to vector<1xf32>
      %squeeze3A_241 = vector.extract %slice3A_240[0] : f32 from vector<1xf32>
      %broadcast_in_dim3A_242 = vector.broadcast %squeeze3A_241 : f32 to vector<16xf32>
      %slice3A_243 = vector.extract_strided_slice %add3A_134 {offsets = [13], sizes = [1], strides = [1]} : vector<16xf32> to vector<1xf32>
      %squeeze3A_244 = vector.extract %slice3A_243[0] : f32 from vector<1xf32>
      %broadcast_in_dim3A_245 = vector.broadcast %squeeze3A_244 : f32 to vector<16xf32>
      %slice3A_246 = vector.extract_strided_slice %add3A_134 {offsets = [14], sizes = [1], strides = [1]} : vector<16xf32> to vector<1xf32>
      %squeeze3A_247 = vector.extract %slice3A_246[0] : f32 from vector<1xf32>
      %broadcast_in_dim3A_248 = vector.broadcast %squeeze3A_247 : f32 to vector<16xf32>
      %slice3A_249 = vector.extract_strided_slice %add3A_134 {offsets = [15], sizes = [1], strides = [1]} : vector<16xf32> to vector<1xf32>
      %squeeze3A_250 = vector.extract %slice3A_249[0] : f32 from vector<1xf32>
      %broadcast_in_dim3A_251 = vector.broadcast %squeeze3A_250 : f32 to vector<16xf32>
      %scan3A_252 = arith.constant 0 : i32
      %scan3A_253 = arith.constant 0 : i32
      %scan3A_254 = arith.constant 32 : i32
      %scan3A_255 = arith.addi %scan3A_253, %scan3A_254 : i32
      %scan3A_256 = arith.constant 1 : i32
      scf.for %scan3A_308 = %scan3A_253 to %scan3A_255 step %scan3A_256  : i32 {
        %swap3A = arith.constant 0 : i32
        %swap3A_309 = arith.index_cast %scan3A_308 : i32 to index
        %swap3A_310 = arith.index_cast %swap3A : i32 to index
        %swap3A_311 = arith.constant 0 : index
        %swap3A_312 = tpu.vector_load %arg8[%swap3A_309, %swap3A_310, %swap3A_311] {strides = array<i32>} : memref<32x8x128xf32, #tpu.memory_space<vmem>>, vector<1x1x16xf32>,
        %swap3A_313 = vector.shape_cast %swap3A_312 : vector<1x1x16xf32> to vector<16xf32>
        %swap3A_314 = vector.shape_cast %broadcast_in_dim3A_230 : vector<16xf32> to vector<1x1x16xf32>
        tpu.vector_store %arg8[%swap3A_309, %swap3A_310, %swap3A_311], %swap3A_314 {strides = array<i32>} : memref<32x8x128xf32, #tpu.memory_space<vmem>>, vector<1x1x16xf32>,
        %swap3A_315 = arith.constant 0 : i32
        %swap3A_316 = arith.index_cast %scan3A_308 : i32 to index
        %swap3A_317 = arith.index_cast %swap3A_315 : i32 to index
        %swap3A_318 = arith.constant 16 : index
        %swap3A_319 = tpu.vector_load %arg8[%swap3A_316, %swap3A_317, %swap3A_318] {strides = array<i32>} : memref<32x8x128xf32, #tpu.memory_space<vmem>>, vector<1x1x16xf32>,
        %swap3A_320 = vector.shape_cast %swap3A_319 : vector<1x1x16xf32> to vector<16xf32>
        %swap3A_321 = vector.shape_cast %broadcast_in_dim3A_230 : vector<16xf32> to vector<1x1x16xf32>
        tpu.vector_store %arg8[%swap3A_316, %swap3A_317, %swap3A_318], %swap3A_321 {strides = array<i32>} : memref<32x8x128xf32, #tpu.memory_space<vmem>>, vector<1x1x16xf32>,
        %swap3A_322 = arith.constant 0 : i32
        %swap3A_323 = arith.index_cast %scan3A_308 : i32 to index
        %swap3A_324 = arith.index_cast %swap3A_322 : i32 to index
        %swap3A_325 = arith.constant 32 : index
        %swap3A_326 = tpu.vector_load %arg8[%swap3A_323, %swap3A_324, %swap3A_325] {strides = array<i32>} : memref<32x8x128xf32, #tpu.memory_space<vmem>>, vector<1x1x16xf32>,
        %swap3A_327 = vector.shape_cast %swap3A_326 : vector<1x1x16xf32> to vector<16xf32>
        %swap3A_328 = vector.shape_cast %broadcast_in_dim3A_230 : vector<16xf32> to vector<1x1x16xf32>
        tpu.vector_store %arg8[%swap3A_323, %swap3A_324, %swap3A_325], %swap3A_328 {strides = array<i32>} : memref<32x8x128xf32, #tpu.memory_space<vmem>>, vector<1x1x16xf32>,
        %swap3A_329 = arith.constant 0 : i32
        %swap3A_330 = arith.index_cast %scan3A_308 : i32 to index
        %swap3A_331 = arith.index_cast %swap3A_329 : i32 to index
        %swap3A_332 = arith.constant 48 : index
        %swap3A_333 = tpu.vector_load %arg8[%swap3A_330, %swap3A_331, %swap3A_332] {strides = array<i32>} : memref<32x8x128xf32, #tpu.memory_space<vmem>>, vector<1x1x16xf32>,
        %swap3A_334 = vector.shape_cast %swap3A_333 : vector<1x1x16xf32> to vector<16xf32>
        %swap3A_335 = vector.shape_cast %broadcast_in_dim3A_230 : vector<16xf32> to vector<1x1x16xf32>
        tpu.vector_store %arg8[%swap3A_330, %swap3A_331, %swap3A_332], %swap3A_335 {strides = array<i32>} : memref<32x8x128xf32, #tpu.memory_space<vmem>>, vector<1x1x16xf32>,
        %swap3A_336 = arith.constant 0 : i32
        %swap3A_337 = arith.index_cast %scan3A_308 : i32 to index
        %swap3A_338 = arith.index_cast %swap3A_336 : i32 to index
        %swap3A_339 = arith.constant 64 : index
        %swap3A_340 = tpu.vector_load %arg8[%swap3A_337, %swap3A_338, %swap3A_339] {strides = array<i32>} : memref<32x8x128xf32, #tpu.memory_space<vmem>>, vector<1x1x16xf32>,
        %swap3A_341 = vector.shape_cast %swap3A_340 : vector<1x1x16xf32> to vector<16xf32>
        %swap3A_342 = vector.shape_cast %broadcast_in_dim3A_230 : vector<16xf32> to vector<1x1x16xf32>
        tpu.vector_store %arg8[%swap3A_337, %swap3A_338, %swap3A_339], %swap3A_342 {strides = array<i32>} : memref<32x8x128xf32, #tpu.memory_space<vmem>>, vector<1x1x16xf32>,
        %swap3A_343 = arith.constant 0 : i32
        %swap3A_344 = arith.index_cast %scan3A_308 : i32 to index
        %swap3A_345 = arith.index_cast %swap3A_343 : i32 to index
        %swap3A_346 = arith.constant 80 : index
        %swap3A_347 = tpu.vector_load %arg8[%swap3A_344, %swap3A_345, %swap3A_346] {strides = array<i32>} : memref<32x8x128xf32, #tpu.memory_space<vmem>>, vector<1x1x16xf32>,
        %swap3A_348 = vector.shape_cast %swap3A_347 : vector<1x1x16xf32> to vector<16xf32>
        %swap3A_349 = vector.shape_cast %broadcast_in_dim3A_230 : vector<16xf32> to vector<1x1x16xf32>
        tpu.vector_store %arg8[%swap3A_344, %swap3A_345, %swap3A_346], %swap3A_349 {strides = array<i32>} : memref<32x8x128xf32, #tpu.memory_space<vmem>>, vector<1x1x16xf32>,
        %swap3A_350 = arith.constant 0 : i32
        %swap3A_351 = arith.index_cast %scan3A_308 : i32 to index
        %swap3A_352 = arith.index_cast %swap3A_350 : i32 to index
        %swap3A_353 = arith.constant 96 : index
        %swap3A_354 = tpu.vector_load %arg8[%swap3A_351, %swap3A_352, %swap3A_353] {strides = array<i32>} : memref<32x8x128xf32, #tpu.memory_space<vmem>>, vector<1x1x16xf32>,
        %swap3A_355 = vector.shape_cast %swap3A_354 : vector<1x1x16xf32> to vector<16xf32>
        %swap3A_356 = vector.shape_cast %broadcast_in_dim3A_230 : vector<16xf32> to vector<1x1x16xf32>
        tpu.vector_store %arg8[%swap3A_351, %swap3A_352, %swap3A_353], %swap3A_356 {strides = array<i32>} : memref<32x8x128xf32, #tpu.memory_space<vmem>>, vector<1x1x16xf32>,
        %swap3A_357 = arith.constant 0 : i32
        %swap3A_358 = arith.index_cast %scan3A_308 : i32 to index
        %swap3A_359 = arith.index_cast %swap3A_357 : i32 to index
        %swap3A_360 = arith.constant 112 : index
        %swap3A_361 = tpu.vector_load %arg8[%swap3A_358, %swap3A_359, %swap3A_360] {strides = array<i32>} : memref<32x8x128xf32, #tpu.memory_space<vmem>>, vector<1x1x16xf32>,
        %swap3A_362 = vector.shape_cast %swap3A_361 : vector<1x1x16xf32> to vector<16xf32>
        %swap3A_363 = vector.shape_cast %broadcast_in_dim3A_230 : vector<16xf32> to vector<1x1x16xf32>
        tpu.vector_store %arg8[%swap3A_358, %swap3A_359, %swap3A_360], %swap3A_363 {strides = array<i32>} : memref<32x8x128xf32, #tpu.memory_space<vmem>>, vector<1x1x16xf32>,
        %swap3A_364 = arith.constant 1 : i32
        %swap3A_365 = arith.index_cast %scan3A_308 : i32 to index
        %swap3A_366 = arith.index_cast %swap3A_364 : i32 to index
        %swap3A_367 = arith.constant 0 : index
        %swap3A_368 = tpu.vector_load %arg8[%swap3A_365, %swap3A_366, %swap3A_367] {strides = array<i32>} : memref<32x8x128xf32, #tpu.memory_space<vmem>>, vector<1x1x16xf32>,
        %swap3A_369 = vector.shape_cast %swap3A_368 : vector<1x1x16xf32> to vector<16xf32>
        %swap3A_370 = vector.shape_cast %broadcast_in_dim3A_233 : vector<16xf32> to vector<1x1x16xf32>
        tpu.vector_store %arg8[%swap3A_365, %swap3A_366, %swap3A_367], %swap3A_370 {strides = array<i32>} : memref<32x8x128xf32, #tpu.memory_space<vmem>>, vector<1x1x16xf32>,
        %swap3A_371 = arith.constant 1 : i32
        %swap3A_372 = arith.index_cast %scan3A_308 : i32 to index
        %swap3A_373 = arith.index_cast %swap3A_371 : i32 to index
        %swap3A_374 = arith.constant 16 : index
        %swap3A_375 = tpu.vector_load %arg8[%swap3A_372, %swap3A_373, %swap3A_374] {strides = array<i32>} : memref<32x8x128xf32, #tpu.memory_space<vmem>>, vector<1x1x16xf32>,
        %swap3A_376 = vector.shape_cast %swap3A_375 : vector<1x1x16xf32> to vector<16xf32>
        %swap3A_377 = vector.shape_cast %broadcast_in_dim3A_233 : vector<16xf32> to vector<1x1x16xf32>
        tpu.vector_store %arg8[%swap3A_372, %swap3A_373, %swap3A_374], %swap3A_377 {strides = array<i32>} : memref<32x8x128xf32, #tpu.memory_space<vmem>>, vector<1x1x16xf32>,
        %swap3A_378 = arith.constant 1 : i32
        %swap3A_379 = arith.index_cast %scan3A_308 : i32 to index
        %swap3A_380 = arith.index_cast %swap3A_378 : i32 to index
        %swap3A_381 = arith.constant 32 : index
        %swap3A_382 = tpu.vector_load %arg8[%swap3A_379, %swap3A_380, %swap3A_381] {strides = array<i32>} : memref<32x8x128xf32, #tpu.memory_space<vmem>>, vector<1x1x16xf32>,
        %swap3A_383 = vector.shape_cast %swap3A_382 : vector<1x1x16xf32> to vector<16xf32>
        %swap3A_384 = vector.shape_cast %broadcast_in_dim3A_233 : vector<16xf32> to vector<1x1x16xf32>
        tpu.vector_store %arg8[%swap3A_379, %swap3A_380, %swap3A_381], %swap3A_384 {strides = array<i32>} : memref<32x8x128xf32, #tpu.memory_space<vmem>>, vector<1x1x16xf32>,
        %swap3A_385 = arith.constant 1 : i32
        %swap3A_386 = arith.index_cast %scan3A_308 : i32 to index
        %swap3A_387 = arith.index_cast %swap3A_385 : i32 to index
        %swap3A_388 = arith.constant 48 : index
        %swap3A_389 = tpu.vector_load %arg8[%swap3A_386, %swap3A_387, %swap3A_388] {strides = array<i32>} : memref<32x8x128xf32, #tpu.memory_space<vmem>>, vector<1x1x16xf32>,
        %swap3A_390 = vector.shape_cast %swap3A_389 : vector<1x1x16xf32> to vector<16xf32>
        %swap3A_391 = vector.shape_cast %broadcast_in_dim3A_233 : vector<16xf32> to vector<1x1x16xf32>
        tpu.vector_store %arg8[%swap3A_386, %swap3A_387, %swap3A_388], %swap3A_391 {strides = array<i32>} : memref<32x8x128xf32, #tpu.memory_space<vmem>>, vector<1x1x16xf32>,
        %swap3A_392 = arith.constant 1 : i32
        %swap3A_393 = arith.index_cast %scan3A_308 : i32 to index
        %swap3A_394 = arith.index_cast %swap3A_392 : i32 to index
        %swap3A_395 = arith.constant 64 : index
        %swap3A_396 = tpu.vector_load %arg8[%swap3A_393, %swap3A_394, %swap3A_395] {strides = array<i32>} : memref<32x8x128xf32, #tpu.memory_space<vmem>>, vector<1x1x16xf32>,
        %swap3A_397 = vector.shape_cast %swap3A_396 : vector<1x1x16xf32> to vector<16xf32>
        %swap3A_398 = vector.shape_cast %broadcast_in_dim3A_233 : vector<16xf32> to vector<1x1x16xf32>
        tpu.vector_store %arg8[%swap3A_393, %swap3A_394, %swap3A_395], %swap3A_398 {strides = array<i32>} : memref<32x8x128xf32, #tpu.memory_space<vmem>>, vector<1x1x16xf32>,
        %swap3A_399 = arith.constant 1 : i32
        %swap3A_400 = arith.index_cast %scan3A_308 : i32 to index
        %swap3A_401 = arith.index_cast %swap3A_399 : i32 to index
        %swap3A_402 = arith.constant 80 : index
        %swap3A_403 = tpu.vector_load %arg8[%swap3A_400, %swap3A_401, %swap3A_402] {strides = array<i32>} : memref<32x8x128xf32, #tpu.memory_space<vmem>>, vector<1x1x16xf32>,
        %swap3A_404 = vector.shape_cast %swap3A_403 : vector<1x1x16xf32> to vector<16xf32>
        %swap3A_405 = vector.shape_cast %broadcast_in_dim3A_233 : vector<16xf32> to vector<1x1x16xf32>
        tpu.vector_store %arg8[%swap3A_400, %swap3A_401, %swap3A_402], %swap3A_405 {strides = array<i32>} : memref<32x8x128xf32, #tpu.memory_space<vmem>>, vector<1x1x16xf32>,
        %swap3A_406 = arith.constant 1 : i32
        %swap3A_407 = arith.index_cast %scan3A_308 : i32 to index
        %swap3A_408 = arith.index_cast %swap3A_406 : i32 to index
        %swap3A_409 = arith.constant 96 : index
        %swap3A_410 = tpu.vector_load %arg8[%swap3A_407, %swap3A_408, %swap3A_409] {strides = array<i32>} : memref<32x8x128xf32, #tpu.memory_space<vmem>>, vector<1x1x16xf32>,
        %swap3A_411 = vector.shape_cast %swap3A_410 : vector<1x1x16xf32> to vector<16xf32>
        %swap3A_412 = vector.shape_cast %broadcast_in_dim3A_233 : vector<16xf32> to vector<1x1x16xf32>
        tpu.vector_store %arg8[%swap3A_407, %swap3A_408, %swap3A_409], %swap3A_412 {strides = array<i32>} : memref<32x8x128xf32, #tpu.memory_space<vmem>>, vector<1x1x16xf32>,
        %swap3A_413 = arith.constant 1 : i32
        %swap3A_414 = arith.index_cast %scan3A_308 : i32 to index
        %swap3A_415 = arith.index_cast %swap3A_413 : i32 to index
        %swap3A_416 = arith.constant 112 : index
        %swap3A_417 = tpu.vector_load %arg8[%swap3A_414, %swap3A_415, %swap3A_416] {strides = array<i32>} : memref<32x8x128xf32, #tpu.memory_space<vmem>>, vector<1x1x16xf32>,
        %swap3A_418 = vector.shape_cast %swap3A_417 : vector<1x1x16xf32> to vector<16xf32>
        %swap3A_419 = vector.shape_cast %broadcast_in_dim3A_233 : vector<16xf32> to vector<1x1x16xf32>
        tpu.vector_store %arg8[%swap3A_414, %swap3A_415, %swap3A_416], %swap3A_419 {strides = array<i32>} : memref<32x8x128xf32, #tpu.memory_space<vmem>>, vector<1x1x16xf32>,
        %swap3A_420 = arith.constant 2 : i32
        %swap3A_421 = arith.index_cast %scan3A_308 : i32 to index
        %swap3A_422 = arith.index_cast %swap3A_420 : i32 to index
        %swap3A_423 = arith.constant 0 : index
        %swap3A_424 = tpu.vector_load %arg8[%swap3A_421, %swap3A_422, %swap3A_423] {strides = array<i32>} : memref<32x8x128xf32, #tpu.memory_space<vmem>>, vector<1x1x16xf32>,
        %swap3A_425 = vector.shape_cast %swap3A_424 : vector<1x1x16xf32> to vector<16xf32>
        %swap3A_426 = vector.shape_cast %broadcast_in_dim3A_236 : vector<16xf32> to vector<1x1x16xf32>
        tpu.vector_store %arg8[%swap3A_421, %swap3A_422, %swap3A_423], %swap3A_426 {strides = array<i32>} : memref<32x8x128xf32, #tpu.memory_space<vmem>>, vector<1x1x16xf32>,
        %swap3A_427 = arith.constant 2 : i32
        %swap3A_428 = arith.index_cast %scan3A_308 : i32 to index
        %swap3A_429 = arith.index_cast %swap3A_427 : i32 to index
        %swap3A_430 = arith.constant 16 : index
        %swap3A_431 = tpu.vector_load %arg8[%swap3A_428, %swap3A_429, %swap3A_430] {strides = array<i32>} : memref<32x8x128xf32, #tpu.memory_space<vmem>>, vector<1x1x16xf32>,
        %swap3A_432 = vector.shape_cast %swap3A_431 : vector<1x1x16xf32> to vector<16xf32>
        %swap3A_433 = vector.shape_cast %broadcast_in_dim3A_236 : vector<16xf32> to vector<1x1x16xf32>
        tpu.vector_store %arg8[%swap3A_428, %swap3A_429, %swap3A_430], %swap3A_433 {strides = array<i32>} : memref<32x8x128xf32, #tpu.memory_space<vmem>>, vector<1x1x16xf32>,
        %swap3A_434 = arith.constant 2 : i32
        %swap3A_435 = arith.index_cast %scan3A_308 : i32 to index
        %swap3A_436 = arith.index_cast %swap3A_434 : i32 to index
        %swap3A_437 = arith.constant 32 : index
        %swap3A_438 = tpu.vector_load %arg8[%swap3A_435, %swap3A_436, %swap3A_437] {strides = array<i32>} : memref<32x8x128xf32, #tpu.memory_space<vmem>>, vector<1x1x16xf32>,
        %swap3A_439 = vector.shape_cast %swap3A_438 : vector<1x1x16xf32> to vector<16xf32>
        %swap3A_440 = vector.shape_cast %broadcast_in_dim3A_236 : vector<16xf32> to vector<1x1x16xf32>
        tpu.vector_store %arg8[%swap3A_435, %swap3A_436, %swap3A_437], %swap3A_440 {strides = array<i32>} : memref<32x8x128xf32, #tpu.memory_space<vmem>>, vector<1x1x16xf32>,
        %swap3A_441 = arith.constant 2 : i32
        %swap3A_442 = arith.index_cast %scan3A_308 : i32 to index
        %swap3A_443 = arith.index_cast %swap3A_441 : i32 to index
        %swap3A_444 = arith.constant 48 : index
        %swap3A_445 = tpu.vector_load %arg8[%swap3A_442, %swap3A_443, %swap3A_444] {strides = array<i32>} : memref<32x8x128xf32, #tpu.memory_space<vmem>>, vector<1x1x16xf32>,
        %swap3A_446 = vector.shape_cast %swap3A_445 : vector<1x1x16xf32> to vector<16xf32>
        %swap3A_447 = vector.shape_cast %broadcast_in_dim3A_236 : vector<16xf32> to vector<1x1x16xf32>
        tpu.vector_store %arg8[%swap3A_442, %swap3A_443, %swap3A_444], %swap3A_447 {strides = array<i32>} : memref<32x8x128xf32, #tpu.memory_space<vmem>>, vector<1x1x16xf32>,
        %swap3A_448 = arith.constant 2 : i32
        %swap3A_449 = arith.index_cast %scan3A_308 : i32 to index
        %swap3A_450 = arith.index_cast %swap3A_448 : i32 to index
        %swap3A_451 = arith.constant 64 : index
        %swap3A_452 = tpu.vector_load %arg8[%swap3A_449, %swap3A_450, %swap3A_451] {strides = array<i32>} : memref<32x8x128xf32, #tpu.memory_space<vmem>>, vector<1x1x16xf32>,
        %swap3A_453 = vector.shape_cast %swap3A_452 : vector<1x1x16xf32> to vector<16xf32>
        %swap3A_454 = vector.shape_cast %broadcast_in_dim3A_236 : vector<16xf32> to vector<1x1x16xf32>
        tpu.vector_store %arg8[%swap3A_449, %swap3A_450, %swap3A_451], %swap3A_454 {strides = array<i32>} : memref<32x8x128xf32, #tpu.memory_space<vmem>>, vector<1x1x16xf32>,
        %swap3A_455 = arith.constant 2 : i32
        %swap3A_456 = arith.index_cast %scan3A_308 : i32 to index
        %swap3A_457 = arith.index_cast %swap3A_455 : i32 to index
        %swap3A_458 = arith.constant 80 : index
        %swap3A_459 = tpu.vector_load %arg8[%swap3A_456, %swap3A_457, %swap3A_458] {strides = array<i32>} : memref<32x8x128xf32, #tpu.memory_space<vmem>>, vector<1x1x16xf32>,
        %swap3A_460 = vector.shape_cast %swap3A_459 : vector<1x1x16xf32> to vector<16xf32>
        %swap3A_461 = vector.shape_cast %broadcast_in_dim3A_236 : vector<16xf32> to vector<1x1x16xf32>
        tpu.vector_store %arg8[%swap3A_456, %swap3A_457, %swap3A_458], %swap3A_461 {strides = array<i32>} : memref<32x8x128xf32, #tpu.memory_space<vmem>>, vector<1x1x16xf32>,
        %swap3A_462 = arith.constant 2 : i32
        %swap3A_463 = arith.index_cast %scan3A_308 : i32 to index
        %swap3A_464 = arith.index_cast %swap3A_462 : i32 to index
        %swap3A_465 = arith.constant 96 : index
        %swap3A_466 = tpu.vector_load %arg8[%swap3A_463, %swap3A_464, %swap3A_465] {strides = array<i32>} : memref<32x8x128xf32, #tpu.memory_space<vmem>>, vector<1x1x16xf32>,
        %swap3A_467 = vector.shape_cast %swap3A_466 : vector<1x1x16xf32> to vector<16xf32>
        %swap3A_468 = vector.shape_cast %broadcast_in_dim3A_236 : vector<16xf32> to vector<1x1x16xf32>
        tpu.vector_store %arg8[%swap3A_463, %swap3A_464, %swap3A_465], %swap3A_468 {strides = array<i32>} : memref<32x8x128xf32, #tpu.memory_space<vmem>>, vector<1x1x16xf32>,
        %swap3A_469 = arith.constant 2 : i32
        %swap3A_470 = arith.index_cast %scan3A_308 : i32 to index
        %swap3A_471 = arith.index_cast %swap3A_469 : i32 to index
        %swap3A_472 = arith.constant 112 : index
        %swap3A_473 = tpu.vector_load %arg8[%swap3A_470, %swap3A_471, %swap3A_472] {strides = array<i32>} : memref<32x8x128xf32, #tpu.memory_space<vmem>>, vector<1x1x16xf32>,
        %swap3A_474 = vector.shape_cast %swap3A_473 : vector<1x1x16xf32> to vector<16xf32>
        %swap3A_475 = vector.shape_cast %broadcast_in_dim3A_236 : vector<16xf32> to vector<1x1x16xf32>
        tpu.vector_store %arg8[%swap3A_470, %swap3A_471, %swap3A_472], %swap3A_475 {strides = array<i32>} : memref<32x8x128xf32, #tpu.memory_space<vmem>>, vector<1x1x16xf32>,
        %swap3A_476 = arith.constant 3 : i32
        %swap3A_477 = arith.index_cast %scan3A_308 : i32 to index
        %swap3A_478 = arith.index_cast %swap3A_476 : i32 to index
        %swap3A_479 = arith.constant 0 : index
        %swap3A_480 = tpu.vector_load %arg8[%swap3A_477, %swap3A_478, %swap3A_479] {strides = array<i32>} : memref<32x8x128xf32, #tpu.memory_space<vmem>>, vector<1x1x16xf32>,
        %swap3A_481 = vector.shape_cast %swap3A_480 : vector<1x1x16xf32> to vector<16xf32>
        %swap3A_482 = vector.shape_cast %broadcast_in_dim3A_239 : vector<16xf32> to vector<1x1x16xf32>
        tpu.vector_store %arg8[%swap3A_477, %swap3A_478, %swap3A_479], %swap3A_482 {strides = array<i32>} : memref<32x8x128xf32, #tpu.memory_space<vmem>>, vector<1x1x16xf32>,
        %swap3A_483 = arith.constant 3 : i32
        %swap3A_484 = arith.index_cast %scan3A_308 : i32 to index
        %swap3A_485 = arith.index_cast %swap3A_483 : i32 to index
        %swap3A_486 = arith.constant 16 : index
        %swap3A_487 = tpu.vector_load %arg8[%swap3A_484, %swap3A_485, %swap3A_486] {strides = array<i32>} : memref<32x8x128xf32, #tpu.memory_space<vmem>>, vector<1x1x16xf32>,
        %swap3A_488 = vector.shape_cast %swap3A_487 : vector<1x1x16xf32> to vector<16xf32>
        %swap3A_489 = vector.shape_cast %broadcast_in_dim3A_239 : vector<16xf32> to vector<1x1x16xf32>
        tpu.vector_store %arg8[%swap3A_484, %swap3A_485, %swap3A_486], %swap3A_489 {strides = array<i32>} : memref<32x8x128xf32, #tpu.memory_space<vmem>>, vector<1x1x16xf32>,
        %swap3A_490 = arith.constant 3 : i32
        %swap3A_491 = arith.index_cast %scan3A_308 : i32 to index
        %swap3A_492 = arith.index_cast %swap3A_490 : i32 to index
        %swap3A_493 = arith.constant 32 : index
        %swap3A_494 = tpu.vector_load %arg8[%swap3A_491, %swap3A_492, %swap3A_493] {strides = array<i32>} : memref<32x8x128xf32, #tpu.memory_space<vmem>>, vector<1x1x16xf32>,
        %swap3A_495 = vector.shape_cast %swap3A_494 : vector<1x1x16xf32> to vector<16xf32>
        %swap3A_496 = vector.shape_cast %broadcast_in_dim3A_239 : vector<16xf32> to vector<1x1x16xf32>
        tpu.vector_store %arg8[%swap3A_491, %swap3A_492, %swap3A_493], %swap3A_496 {strides = array<i32>} : memref<32x8x128xf32, #tpu.memory_space<vmem>>, vector<1x1x16xf32>,
        %swap3A_497 = arith.constant 3 : i32
        %swap3A_498 = arith.index_cast %scan3A_308 : i32 to index
        %swap3A_499 = arith.index_cast %swap3A_497 : i32 to index
        %swap3A_500 = arith.constant 48 : index
        %swap3A_501 = tpu.vector_load %arg8[%swap3A_498, %swap3A_499, %swap3A_500] {strides = array<i32>} : memref<32x8x128xf32, #tpu.memory_space<vmem>>, vector<1x1x16xf32>,
        %swap3A_502 = vector.shape_cast %swap3A_501 : vector<1x1x16xf32> to vector<16xf32>
        %swap3A_503 = vector.shape_cast %broadcast_in_dim3A_239 : vector<16xf32> to vector<1x1x16xf32>
        tpu.vector_store %arg8[%swap3A_498, %swap3A_499, %swap3A_500], %swap3A_503 {strides = array<i32>} : memref<32x8x128xf32, #tpu.memory_space<vmem>>, vector<1x1x16xf32>,
        %swap3A_504 = arith.constant 3 : i32
        %swap3A_505 = arith.index_cast %scan3A_308 : i32 to index
        %swap3A_506 = arith.index_cast %swap3A_504 : i32 to index
        %swap3A_507 = arith.constant 64 : index
        %swap3A_508 = tpu.vector_load %arg8[%swap3A_505, %swap3A_506, %swap3A_507] {strides = array<i32>} : memref<32x8x128xf32, #tpu.memory_space<vmem>>, vector<1x1x16xf32>,
        %swap3A_509 = vector.shape_cast %swap3A_508 : vector<1x1x16xf32> to vector<16xf32>
        %swap3A_510 = vector.shape_cast %broadcast_in_dim3A_239 : vector<16xf32> to vector<1x1x16xf32>
        tpu.vector_store %arg8[%swap3A_505, %swap3A_506, %swap3A_507], %swap3A_510 {strides = array<i32>} : memref<32x8x128xf32, #tpu.memory_space<vmem>>, vector<1x1x16xf32>,
        %swap3A_511 = arith.constant 3 : i32
        %swap3A_512 = arith.index_cast %scan3A_308 : i32 to index
        %swap3A_513 = arith.index_cast %swap3A_511 : i32 to index
        %swap3A_514 = arith.constant 80 : index
        %swap3A_515 = tpu.vector_load %arg8[%swap3A_512, %swap3A_513, %swap3A_514] {strides = array<i32>} : memref<32x8x128xf32, #tpu.memory_space<vmem>>, vector<1x1x16xf32>,
        %swap3A_516 = vector.shape_cast %swap3A_515 : vector<1x1x16xf32> to vector<16xf32>
        %swap3A_517 = vector.shape_cast %broadcast_in_dim3A_239 : vector<16xf32> to vector<1x1x16xf32>
        tpu.vector_store %arg8[%swap3A_512, %swap3A_513, %swap3A_514], %swap3A_517 {strides = array<i32>} : memref<32x8x128xf32, #tpu.memory_space<vmem>>, vector<1x1x16xf32>,
        %swap3A_518 = arith.constant 3 : i32
        %swap3A_519 = arith.index_cast %scan3A_308 : i32 to index
        %swap3A_520 = arith.index_cast %swap3A_518 : i32 to index
        %swap3A_521 = arith.constant 96 : index
        %swap3A_522 = tpu.vector_load %arg8[%swap3A_519, %swap3A_520, %swap3A_521] {strides = array<i32>} : memref<32x8x128xf32, #tpu.memory_space<vmem>>, vector<1x1x16xf32>,
        %swap3A_523 = vector.shape_cast %swap3A_522 : vector<1x1x16xf32> to vector<16xf32>
        %swap3A_524 = vector.shape_cast %broadcast_in_dim3A_239 : vector<16xf32> to vector<1x1x16xf32>
        tpu.vector_store %arg8[%swap3A_519, %swap3A_520, %swap3A_521], %swap3A_524 {strides = array<i32>} : memref<32x8x128xf32, #tpu.memory_space<vmem>>, vector<1x1x16xf32>,
        %swap3A_525 = arith.constant 3 : i32
        %swap3A_526 = arith.index_cast %scan3A_308 : i32 to index
        %swap3A_527 = arith.index_cast %swap3A_525 : i32 to index
        %swap3A_528 = arith.constant 112 : index
        %swap3A_529 = tpu.vector_load %arg8[%swap3A_526, %swap3A_527, %swap3A_528] {strides = array<i32>} : memref<32x8x128xf32, #tpu.memory_space<vmem>>, vector<1x1x16xf32>,
        %swap3A_530 = vector.shape_cast %swap3A_529 : vector<1x1x16xf32> to vector<16xf32>
        %swap3A_531 = vector.shape_cast %broadcast_in_dim3A_239 : vector<16xf32> to vector<1x1x16xf32>
        tpu.vector_store %arg8[%swap3A_526, %swap3A_527, %swap3A_528], %swap3A_531 {strides = array<i32>} : memref<32x8x128xf32, #tpu.memory_space<vmem>>, vector<1x1x16xf32>,
        %swap3A_532 = arith.constant 4 : i32
        %swap3A_533 = arith.index_cast %scan3A_308 : i32 to index
        %swap3A_534 = arith.index_cast %swap3A_532 : i32 to index
        %swap3A_535 = arith.constant 0 : index
        %swap3A_536 = tpu.vector_load %arg8[%swap3A_533, %swap3A_534, %swap3A_535] {strides = array<i32>} : memref<32x8x128xf32, #tpu.memory_space<vmem>>, vector<1x1x16xf32>,
        %swap3A_537 = vector.shape_cast %swap3A_536 : vector<1x1x16xf32> to vector<16xf32>
        %swap3A_538 = vector.shape_cast %broadcast_in_dim3A_242 : vector<16xf32> to vector<1x1x16xf32>
        tpu.vector_store %arg8[%swap3A_533, %swap3A_534, %swap3A_535], %swap3A_538 {strides = array<i32>} : memref<32x8x128xf32, #tpu.memory_space<vmem>>, vector<1x1x16xf32>,
        %swap3A_539 = arith.constant 4 : i32
        %swap3A_540 = arith.index_cast %scan3A_308 : i32 to index
        %swap3A_541 = arith.index_cast %swap3A_539 : i32 to index
        %swap3A_542 = arith.constant 16 : index
        %swap3A_543 = tpu.vector_load %arg8[%swap3A_540, %swap3A_541, %swap3A_542] {strides = array<i32>} : memref<32x8x128xf32, #tpu.memory_space<vmem>>, vector<1x1x16xf32>,
        %swap3A_544 = vector.shape_cast %swap3A_543 : vector<1x1x16xf32> to vector<16xf32>
        %swap3A_545 = vector.shape_cast %broadcast_in_dim3A_242 : vector<16xf32> to vector<1x1x16xf32>
        tpu.vector_store %arg8[%swap3A_540, %swap3A_541, %swap3A_542], %swap3A_545 {strides = array<i32>} : memref<32x8x128xf32, #tpu.memory_space<vmem>>, vector<1x1x16xf32>,
        %swap3A_546 = arith.constant 4 : i32
        %swap3A_547 = arith.index_cast %scan3A_308 : i32 to index
        %swap3A_548 = arith.index_cast %swap3A_546 : i32 to index
        %swap3A_549 = arith.constant 32 : index
        %swap3A_550 = tpu.vector_load %arg8[%swap3A_547, %swap3A_548, %swap3A_549] {strides = array<i32>} : memref<32x8x128xf32, #tpu.memory_space<vmem>>, vector<1x1x16xf32>,
        %swap3A_551 = vector.shape_cast %swap3A_550 : vector<1x1x16xf32> to vector<16xf32>
        %swap3A_552 = vector.shape_cast %broadcast_in_dim3A_242 : vector<16xf32> to vector<1x1x16xf32>
        tpu.vector_store %arg8[%swap3A_547, %swap3A_548, %swap3A_549], %swap3A_552 {strides = array<i32>} : memref<32x8x128xf32, #tpu.memory_space<vmem>>, vector<1x1x16xf32>,
        %swap3A_553 = arith.constant 4 : i32
        %swap3A_554 = arith.index_cast %scan3A_308 : i32 to index
        %swap3A_555 = arith.index_cast %swap3A_553 : i32 to index
        %swap3A_556 = arith.constant 48 : index
        %swap3A_557 = tpu.vector_load %arg8[%swap3A_554, %swap3A_555, %swap3A_556] {strides = array<i32>} : memref<32x8x128xf32, #tpu.memory_space<vmem>>, vector<1x1x16xf32>,
        %swap3A_558 = vector.shape_cast %swap3A_557 : vector<1x1x16xf32> to vector<16xf32>
        %swap3A_559 = vector.shape_cast %broadcast_in_dim3A_242 : vector<16xf32> to vector<1x1x16xf32>
        tpu.vector_store %arg8[%swap3A_554, %swap3A_555, %swap3A_556], %swap3A_559 {strides = array<i32>} : memref<32x8x128xf32, #tpu.memory_space<vmem>>, vector<1x1x16xf32>,
        %swap3A_560 = arith.constant 4 : i32
        %swap3A_561 = arith.index_cast %scan3A_308 : i32 to index
        %swap3A_562 = arith.index_cast %swap3A_560 : i32 to index
        %swap3A_563 = arith.constant 64 : index
        %swap3A_564 = tpu.vector_load %arg8[%swap3A_561, %swap3A_562, %swap3A_563] {strides = array<i32>} : memref<32x8x128xf32, #tpu.memory_space<vmem>>, vector<1x1x16xf32>,
        %swap3A_565 = vector.shape_cast %swap3A_564 : vector<1x1x16xf32> to vector<16xf32>
        %swap3A_566 = vector.shape_cast %broadcast_in_dim3A_242 : vector<16xf32> to vector<1x1x16xf32>
        tpu.vector_store %arg8[%swap3A_561, %swap3A_562, %swap3A_563], %swap3A_566 {strides = array<i32>} : memref<32x8x128xf32, #tpu.memory_space<vmem>>, vector<1x1x16xf32>,
        %swap3A_567 = arith.constant 4 : i32
        %swap3A_568 = arith.index_cast %scan3A_308 : i32 to index
        %swap3A_569 = arith.index_cast %swap3A_567 : i32 to index
        %swap3A_570 = arith.constant 80 : index
        %swap3A_571 = tpu.vector_load %arg8[%swap3A_568, %swap3A_569, %swap3A_570] {strides = array<i32>} : memref<32x8x128xf32, #tpu.memory_space<vmem>>, vector<1x1x16xf32>,
        %swap3A_572 = vector.shape_cast %swap3A_571 : vector<1x1x16xf32> to vector<16xf32>
        %swap3A_573 = vector.shape_cast %broadcast_in_dim3A_242 : vector<16xf32> to vector<1x1x16xf32>
        tpu.vector_store %arg8[%swap3A_568, %swap3A_569, %swap3A_570], %swap3A_573 {strides = array<i32>} : memref<32x8x128xf32, #tpu.memory_space<vmem>>, vector<1x1x16xf32>,
        %swap3A_574 = arith.constant 4 : i32
        %swap3A_575 = arith.index_cast %scan3A_308 : i32 to index
        %swap3A_576 = arith.index_cast %swap3A_574 : i32 to index
        %swap3A_577 = arith.constant 96 : index
        %swap3A_578 = tpu.vector_load %arg8[%swap3A_575, %swap3A_576, %swap3A_577] {strides = array<i32>} : memref<32x8x128xf32, #tpu.memory_space<vmem>>, vector<1x1x16xf32>,
        %swap3A_579 = vector.shape_cast %swap3A_578 : vector<1x1x16xf32> to vector<16xf32>
        %swap3A_580 = vector.shape_cast %broadcast_in_dim3A_242 : vector<16xf32> to vector<1x1x16xf32>
        tpu.vector_store %arg8[%swap3A_575, %swap3A_576, %swap3A_577], %swap3A_580 {strides = array<i32>} : memref<32x8x128xf32, #tpu.memory_space<vmem>>, vector<1x1x16xf32>,
        %swap3A_581 = arith.constant 4 : i32
        %swap3A_582 = arith.index_cast %scan3A_308 : i32 to index
        %swap3A_583 = arith.index_cast %swap3A_581 : i32 to index
        %swap3A_584 = arith.constant 112 : index
        %swap3A_585 = tpu.vector_load %arg8[%swap3A_582, %swap3A_583, %swap3A_584] {strides = array<i32>} : memref<32x8x128xf32, #tpu.memory_space<vmem>>, vector<1x1x16xf32>,
        %swap3A_586 = vector.shape_cast %swap3A_585 : vector<1x1x16xf32> to vector<16xf32>
        %swap3A_587 = vector.shape_cast %broadcast_in_dim3A_242 : vector<16xf32> to vector<1x1x16xf32>
        tpu.vector_store %arg8[%swap3A_582, %swap3A_583, %swap3A_584], %swap3A_587 {strides = array<i32>} : memref<32x8x128xf32, #tpu.memory_space<vmem>>, vector<1x1x16xf32>,
        %swap3A_588 = arith.constant 5 : i32
        %swap3A_589 = arith.index_cast %scan3A_308 : i32 to index
        %swap3A_590 = arith.index_cast %swap3A_588 : i32 to index
        %swap3A_591 = arith.constant 0 : index
        %swap3A_592 = tpu.vector_load %arg8[%swap3A_589, %swap3A_590, %swap3A_591] {strides = array<i32>} : memref<32x8x128xf32, #tpu.memory_space<vmem>>, vector<1x1x16xf32>,
        %swap3A_593 = vector.shape_cast %swap3A_592 : vector<1x1x16xf32> to vector<16xf32>
        %swap3A_594 = vector.shape_cast %broadcast_in_dim3A_245 : vector<16xf32> to vector<1x1x16xf32>
        tpu.vector_store %arg8[%swap3A_589, %swap3A_590, %swap3A_591], %swap3A_594 {strides = array<i32>} : memref<32x8x128xf32, #tpu.memory_space<vmem>>, vector<1x1x16xf32>,
        %swap3A_595 = arith.constant 5 : i32
        %swap3A_596 = arith.index_cast %scan3A_308 : i32 to index
        %swap3A_597 = arith.index_cast %swap3A_595 : i32 to index
        %swap3A_598 = arith.constant 16 : index
        %swap3A_599 = tpu.vector_load %arg8[%swap3A_596, %swap3A_597, %swap3A_598] {strides = array<i32>} : memref<32x8x128xf32, #tpu.memory_space<vmem>>, vector<1x1x16xf32>,
        %swap3A_600 = vector.shape_cast %swap3A_599 : vector<1x1x16xf32> to vector<16xf32>
        %swap3A_601 = vector.shape_cast %broadcast_in_dim3A_245 : vector<16xf32> to vector<1x1x16xf32>
        tpu.vector_store %arg8[%swap3A_596, %swap3A_597, %swap3A_598], %swap3A_601 {strides = array<i32>} : memref<32x8x128xf32, #tpu.memory_space<vmem>>, vector<1x1x16xf32>,
        %swap3A_602 = arith.constant 5 : i32
        %swap3A_603 = arith.index_cast %scan3A_308 : i32 to index
        %swap3A_604 = arith.index_cast %swap3A_602 : i32 to index
        %swap3A_605 = arith.constant 32 : index
        %swap3A_606 = tpu.vector_load %arg8[%swap3A_603, %swap3A_604, %swap3A_605] {strides = array<i32>} : memref<32x8x128xf32, #tpu.memory_space<vmem>>, vector<1x1x16xf32>,
        %swap3A_607 = vector.shape_cast %swap3A_606 : vector<1x1x16xf32> to vector<16xf32>
        %swap3A_608 = vector.shape_cast %broadcast_in_dim3A_245 : vector<16xf32> to vector<1x1x16xf32>
        tpu.vector_store %arg8[%swap3A_603, %swap3A_604, %swap3A_605], %swap3A_608 {strides = array<i32>} : memref<32x8x128xf32, #tpu.memory_space<vmem>>, vector<1x1x16xf32>,
        %swap3A_609 = arith.constant 5 : i32
        %swap3A_610 = arith.index_cast %scan3A_308 : i32 to index
        %swap3A_611 = arith.index_cast %swap3A_609 : i32 to index
        %swap3A_612 = arith.constant 48 : index
        %swap3A_613 = tpu.vector_load %arg8[%swap3A_610, %swap3A_611, %swap3A_612] {strides = array<i32>} : memref<32x8x128xf32, #tpu.memory_space<vmem>>, vector<1x1x16xf32>,
        %swap3A_614 = vector.shape_cast %swap3A_613 : vector<1x1x16xf32> to vector<16xf32>
        %swap3A_615 = vector.shape_cast %broadcast_in_dim3A_245 : vector<16xf32> to vector<1x1x16xf32>
        tpu.vector_store %arg8[%swap3A_610, %swap3A_611, %swap3A_612], %swap3A_615 {strides = array<i32>} : memref<32x8x128xf32, #tpu.memory_space<vmem>>, vector<1x1x16xf32>,
        %swap3A_616 = arith.constant 5 : i32
        %swap3A_617 = arith.index_cast %scan3A_308 : i32 to index
        %swap3A_618 = arith.index_cast %swap3A_616 : i32 to index
        %swap3A_619 = arith.constant 64 : index
        %swap3A_620 = tpu.vector_load %arg8[%swap3A_617, %swap3A_618, %swap3A_619] {strides = array<i32>} : memref<32x8x128xf32, #tpu.memory_space<vmem>>, vector<1x1x16xf32>,
        %swap3A_621 = vector.shape_cast %swap3A_620 : vector<1x1x16xf32> to vector<16xf32>
        %swap3A_622 = vector.shape_cast %broadcast_in_dim3A_245 : vector<16xf32> to vector<1x1x16xf32>
        tpu.vector_store %arg8[%swap3A_617, %swap3A_618, %swap3A_619], %swap3A_622 {strides = array<i32>} : memref<32x8x128xf32, #tpu.memory_space<vmem>>, vector<1x1x16xf32>,
        %swap3A_623 = arith.constant 5 : i32
        %swap3A_624 = arith.index_cast %scan3A_308 : i32 to index
        %swap3A_625 = arith.index_cast %swap3A_623 : i32 to index
        %swap3A_626 = arith.constant 80 : index
        %swap3A_627 = tpu.vector_load %arg8[%swap3A_624, %swap3A_625, %swap3A_626] {strides = array<i32>} : memref<32x8x128xf32, #tpu.memory_space<vmem>>, vector<1x1x16xf32>,
        %swap3A_628 = vector.shape_cast %swap3A_627 : vector<1x1x16xf32> to vector<16xf32>
        %swap3A_629 = vector.shape_cast %broadcast_in_dim3A_245 : vector<16xf32> to vector<1x1x16xf32>
        tpu.vector_store %arg8[%swap3A_624, %swap3A_625, %swap3A_626], %swap3A_629 {strides = array<i32>} : memref<32x8x128xf32, #tpu.memory_space<vmem>>, vector<1x1x16xf32>,
        %swap3A_630 = arith.constant 5 : i32
        %swap3A_631 = arith.index_cast %scan3A_308 : i32 to index
        %swap3A_632 = arith.index_cast %swap3A_630 : i32 to index
        %swap3A_633 = arith.constant 96 : index
        %swap3A_634 = tpu.vector_load %arg8[%swap3A_631, %swap3A_632, %swap3A_633] {strides = array<i32>} : memref<32x8x128xf32, #tpu.memory_space<vmem>>, vector<1x1x16xf32>,
        %swap3A_635 = vector.shape_cast %swap3A_634 : vector<1x1x16xf32> to vector<16xf32>
        %swap3A_636 = vector.shape_cast %broadcast_in_dim3A_245 : vector<16xf32> to vector<1x1x16xf32>
        tpu.vector_store %arg8[%swap3A_631, %swap3A_632, %swap3A_633], %swap3A_636 {strides = array<i32>} : memref<32x8x128xf32, #tpu.memory_space<vmem>>, vector<1x1x16xf32>,
        %swap3A_637 = arith.constant 5 : i32
        %swap3A_638 = arith.index_cast %scan3A_308 : i32 to index
        %swap3A_639 = arith.index_cast %swap3A_637 : i32 to index
        %swap3A_640 = arith.constant 112 : index
        %swap3A_641 = tpu.vector_load %arg8[%swap3A_638, %swap3A_639, %swap3A_640] {strides = array<i32>} : memref<32x8x128xf32, #tpu.memory_space<vmem>>, vector<1x1x16xf32>,
        %swap3A_642 = vector.shape_cast %swap3A_641 : vector<1x1x16xf32> to vector<16xf32>
        %swap3A_643 = vector.shape_cast %broadcast_in_dim3A_245 : vector<16xf32> to vector<1x1x16xf32>
        tpu.vector_store %arg8[%swap3A_638, %swap3A_639, %swap3A_640], %swap3A_643 {strides = array<i32>} : memref<32x8x128xf32, #tpu.memory_space<vmem>>, vector<1x1x16xf32>,
        %swap3A_644 = arith.constant 6 : i32
        %swap3A_645 = arith.index_cast %scan3A_308 : i32 to index
        %swap3A_646 = arith.index_cast %swap3A_644 : i32 to index
        %swap3A_647 = arith.constant 0 : index
        %swap3A_648 = tpu.vector_load %arg8[%swap3A_645, %swap3A_646, %swap3A_647] {strides = array<i32>} : memref<32x8x128xf32, #tpu.memory_space<vmem>>, vector<1x1x16xf32>,
        %swap3A_649 = vector.shape_cast %swap3A_648 : vector<1x1x16xf32> to vector<16xf32>
        %swap3A_650 = vector.shape_cast %broadcast_in_dim3A_248 : vector<16xf32> to vector<1x1x16xf32>
        tpu.vector_store %arg8[%swap3A_645, %swap3A_646, %swap3A_647], %swap3A_650 {strides = array<i32>} : memref<32x8x128xf32, #tpu.memory_space<vmem>>, vector<1x1x16xf32>,
        %swap3A_651 = arith.constant 6 : i32
        %swap3A_652 = arith.index_cast %scan3A_308 : i32 to index
        %swap3A_653 = arith.index_cast %swap3A_651 : i32 to index
        %swap3A_654 = arith.constant 16 : index
        %swap3A_655 = tpu.vector_load %arg8[%swap3A_652, %swap3A_653, %swap3A_654] {strides = array<i32>} : memref<32x8x128xf32, #tpu.memory_space<vmem>>, vector<1x1x16xf32>,
        %swap3A_656 = vector.shape_cast %swap3A_655 : vector<1x1x16xf32> to vector<16xf32>
        %swap3A_657 = vector.shape_cast %broadcast_in_dim3A_248 : vector<16xf32> to vector<1x1x16xf32>
        tpu.vector_store %arg8[%swap3A_652, %swap3A_653, %swap3A_654], %swap3A_657 {strides = array<i32>} : memref<32x8x128xf32, #tpu.memory_space<vmem>>, vector<1x1x16xf32>,
        %swap3A_658 = arith.constant 6 : i32
        %swap3A_659 = arith.index_cast %scan3A_308 : i32 to index
        %swap3A_660 = arith.index_cast %swap3A_658 : i32 to index
        %swap3A_661 = arith.constant 32 : index
        %swap3A_662 = tpu.vector_load %arg8[%swap3A_659, %swap3A_660, %swap3A_661] {strides = array<i32>} : memref<32x8x128xf32, #tpu.memory_space<vmem>>, vector<1x1x16xf32>,
        %swap3A_663 = vector.shape_cast %swap3A_662 : vector<1x1x16xf32> to vector<16xf32>
        %swap3A_664 = vector.shape_cast %broadcast_in_dim3A_248 : vector<16xf32> to vector<1x1x16xf32>
        tpu.vector_store %arg8[%swap3A_659, %swap3A_660, %swap3A_661], %swap3A_664 {strides = array<i32>} : memref<32x8x128xf32, #tpu.memory_space<vmem>>, vector<1x1x16xf32>,
        %swap3A_665 = arith.constant 6 : i32
        %swap3A_666 = arith.index_cast %scan3A_308 : i32 to index
        %swap3A_667 = arith.index_cast %swap3A_665 : i32 to index
        %swap3A_668 = arith.constant 48 : index
        %swap3A_669 = tpu.vector_load %arg8[%swap3A_666, %swap3A_667, %swap3A_668] {strides = array<i32>} : memref<32x8x128xf32, #tpu.memory_space<vmem>>, vector<1x1x16xf32>,
        %swap3A_670 = vector.shape_cast %swap3A_669 : vector<1x1x16xf32> to vector<16xf32>
        %swap3A_671 = vector.shape_cast %broadcast_in_dim3A_248 : vector<16xf32> to vector<1x1x16xf32>
        tpu.vector_store %arg8[%swap3A_666, %swap3A_667, %swap3A_668], %swap3A_671 {strides = array<i32>} : memref<32x8x128xf32, #tpu.memory_space<vmem>>, vector<1x1x16xf32>,
        %swap3A_672 = arith.constant 6 : i32
        %swap3A_673 = arith.index_cast %scan3A_308 : i32 to index
        %swap3A_674 = arith.index_cast %swap3A_672 : i32 to index
        %swap3A_675 = arith.constant 64 : index
        %swap3A_676 = tpu.vector_load %arg8[%swap3A_673, %swap3A_674, %swap3A_675] {strides = array<i32>} : memref<32x8x128xf32, #tpu.memory_space<vmem>>, vector<1x1x16xf32>,
        %swap3A_677 = vector.shape_cast %swap3A_676 : vector<1x1x16xf32> to vector<16xf32>
        %swap3A_678 = vector.shape_cast %broadcast_in_dim3A_248 : vector<16xf32> to vector<1x1x16xf32>
        tpu.vector_store %arg8[%swap3A_673, %swap3A_674, %swap3A_675], %swap3A_678 {strides = array<i32>} : memref<32x8x128xf32, #tpu.memory_space<vmem>>, vector<1x1x16xf32>,
        %swap3A_679 = arith.constant 6 : i32
        %swap3A_680 = arith.index_cast %scan3A_308 : i32 to index
        %swap3A_681 = arith.index_cast %swap3A_679 : i32 to index
        %swap3A_682 = arith.constant 80 : index
        %swap3A_683 = tpu.vector_load %arg8[%swap3A_680, %swap3A_681, %swap3A_682] {strides = array<i32>} : memref<32x8x128xf32, #tpu.memory_space<vmem>>, vector<1x1x16xf32>,
        %swap3A_684 = vector.shape_cast %swap3A_683 : vector<1x1x16xf32> to vector<16xf32>
        %swap3A_685 = vector.shape_cast %broadcast_in_dim3A_248 : vector<16xf32> to vector<1x1x16xf32>
        tpu.vector_store %arg8[%swap3A_680, %swap3A_681, %swap3A_682], %swap3A_685 {strides = array<i32>} : memref<32x8x128xf32, #tpu.memory_space<vmem>>, vector<1x1x16xf32>,
        %swap3A_686 = arith.constant 6 : i32
        %swap3A_687 = arith.index_cast %scan3A_308 : i32 to index
        %swap3A_688 = arith.index_cast %swap3A_686 : i32 to index
        %swap3A_689 = arith.constant 96 : index
        %swap3A_690 = tpu.vector_load %arg8[%swap3A_687, %swap3A_688, %swap3A_689] {strides = array<i32>} : memref<32x8x128xf32, #tpu.memory_space<vmem>>, vector<1x1x16xf32>,
        %swap3A_691 = vector.shape_cast %swap3A_690 : vector<1x1x16xf32> to vector<16xf32>
        %swap3A_692 = vector.shape_cast %broadcast_in_dim3A_248 : vector<16xf32> to vector<1x1x16xf32>
        tpu.vector_store %arg8[%swap3A_687, %swap3A_688, %swap3A_689], %swap3A_692 {strides = array<i32>} : memref<32x8x128xf32, #tpu.memory_space<vmem>>, vector<1x1x16xf32>,
        %swap3A_693 = arith.constant 6 : i32
        %swap3A_694 = arith.index_cast %scan3A_308 : i32 to index
        %swap3A_695 = arith.index_cast %swap3A_693 : i32 to index
        %swap3A_696 = arith.constant 112 : index
        %swap3A_697 = tpu.vector_load %arg8[%swap3A_694, %swap3A_695, %swap3A_696] {strides = array<i32>} : memref<32x8x128xf32, #tpu.memory_space<vmem>>, vector<1x1x16xf32>,
        %swap3A_698 = vector.shape_cast %swap3A_697 : vector<1x1x16xf32> to vector<16xf32>
        %swap3A_699 = vector.shape_cast %broadcast_in_dim3A_248 : vector<16xf32> to vector<1x1x16xf32>
        tpu.vector_store %arg8[%swap3A_694, %swap3A_695, %swap3A_696], %swap3A_699 {strides = array<i32>} : memref<32x8x128xf32, #tpu.memory_space<vmem>>, vector<1x1x16xf32>,
        %swap3A_700 = arith.constant 7 : i32
        %swap3A_701 = arith.index_cast %scan3A_308 : i32 to index
        %swap3A_702 = arith.index_cast %swap3A_700 : i32 to index
        %swap3A_703 = arith.constant 0 : index
        %swap3A_704 = tpu.vector_load %arg8[%swap3A_701, %swap3A_702, %swap3A_703] {strides = array<i32>} : memref<32x8x128xf32, #tpu.memory_space<vmem>>, vector<1x1x16xf32>,
        %swap3A_705 = vector.shape_cast %swap3A_704 : vector<1x1x16xf32> to vector<16xf32>
        %swap3A_706 = vector.shape_cast %broadcast_in_dim3A_251 : vector<16xf32> to vector<1x1x16xf32>
        tpu.vector_store %arg8[%swap3A_701, %swap3A_702, %swap3A_703], %swap3A_706 {strides = array<i32>} : memref<32x8x128xf32, #tpu.memory_space<vmem>>, vector<1x1x16xf32>,
        %swap3A_707 = arith.constant 7 : i32
        %swap3A_708 = arith.index_cast %scan3A_308 : i32 to index
        %swap3A_709 = arith.index_cast %swap3A_707 : i32 to index
        %swap3A_710 = arith.constant 16 : index
        %swap3A_711 = tpu.vector_load %arg8[%swap3A_708, %swap3A_709, %swap3A_710] {strides = array<i32>} : memref<32x8x128xf32, #tpu.memory_space<vmem>>, vector<1x1x16xf32>,
        %swap3A_712 = vector.shape_cast %swap3A_711 : vector<1x1x16xf32> to vector<16xf32>
        %swap3A_713 = vector.shape_cast %broadcast_in_dim3A_251 : vector<16xf32> to vector<1x1x16xf32>
        tpu.vector_store %arg8[%swap3A_708, %swap3A_709, %swap3A_710], %swap3A_713 {strides = array<i32>} : memref<32x8x128xf32, #tpu.memory_space<vmem>>, vector<1x1x16xf32>,
        %swap3A_714 = arith.constant 7 : i32
        %swap3A_715 = arith.index_cast %scan3A_308 : i32 to index
        %swap3A_716 = arith.index_cast %swap3A_714 : i32 to index
        %swap3A_717 = arith.constant 32 : index
        %swap3A_718 = tpu.vector_load %arg8[%swap3A_715, %swap3A_716, %swap3A_717] {strides = array<i32>} : memref<32x8x128xf32, #tpu.memory_space<vmem>>, vector<1x1x16xf32>,
        %swap3A_719 = vector.shape_cast %swap3A_718 : vector<1x1x16xf32> to vector<16xf32>
        %swap3A_720 = vector.shape_cast %broadcast_in_dim3A_251 : vector<16xf32> to vector<1x1x16xf32>
        tpu.vector_store %arg8[%swap3A_715, %swap3A_716, %swap3A_717], %swap3A_720 {strides = array<i32>} : memref<32x8x128xf32, #tpu.memory_space<vmem>>, vector<1x1x16xf32>,
        %swap3A_721 = arith.constant 7 : i32
        %swap3A_722 = arith.index_cast %scan3A_308 : i32 to index
        %swap3A_723 = arith.index_cast %swap3A_721 : i32 to index
        %swap3A_724 = arith.constant 48 : index
        %swap3A_725 = tpu.vector_load %arg8[%swap3A_722, %swap3A_723, %swap3A_724] {strides = array<i32>} : memref<32x8x128xf32, #tpu.memory_space<vmem>>, vector<1x1x16xf32>,
        %swap3A_726 = vector.shape_cast %swap3A_725 : vector<1x1x16xf32> to vector<16xf32>
        %swap3A_727 = vector.shape_cast %broadcast_in_dim3A_251 : vector<16xf32> to vector<1x1x16xf32>
        tpu.vector_store %arg8[%swap3A_722, %swap3A_723, %swap3A_724], %swap3A_727 {strides = array<i32>} : memref<32x8x128xf32, #tpu.memory_space<vmem>>, vector<1x1x16xf32>,
        %swap3A_728 = arith.constant 7 : i32
        %swap3A_729 = arith.index_cast %scan3A_308 : i32 to index
        %swap3A_730 = arith.index_cast %swap3A_728 : i32 to index
        %swap3A_731 = arith.constant 64 : index
        %swap3A_732 = tpu.vector_load %arg8[%swap3A_729, %swap3A_730, %swap3A_731] {strides = array<i32>} : memref<32x8x128xf32, #tpu.memory_space<vmem>>, vector<1x1x16xf32>,
        %swap3A_733 = vector.shape_cast %swap3A_732 : vector<1x1x16xf32> to vector<16xf32>
        %swap3A_734 = vector.shape_cast %broadcast_in_dim3A_251 : vector<16xf32> to vector<1x1x16xf32>
        tpu.vector_store %arg8[%swap3A_729, %swap3A_730, %swap3A_731], %swap3A_734 {strides = array<i32>} : memref<32x8x128xf32, #tpu.memory_space<vmem>>, vector<1x1x16xf32>,
        %swap3A_735 = arith.constant 7 : i32
        %swap3A_736 = arith.index_cast %scan3A_308 : i32 to index
        %swap3A_737 = arith.index_cast %swap3A_735 : i32 to index
        %swap3A_738 = arith.constant 80 : index
        %swap3A_739 = tpu.vector_load %arg8[%swap3A_736, %swap3A_737, %swap3A_738] {strides = array<i32>} : memref<32x8x128xf32, #tpu.memory_space<vmem>>, vector<1x1x16xf32>,
        %swap3A_740 = vector.shape_cast %swap3A_739 : vector<1x1x16xf32> to vector<16xf32>
        %swap3A_741 = vector.shape_cast %broadcast_in_dim3A_251 : vector<16xf32> to vector<1x1x16xf32>
        tpu.vector_store %arg8[%swap3A_736, %swap3A_737, %swap3A_738], %swap3A_741 {strides = array<i32>} : memref<32x8x128xf32, #tpu.memory_space<vmem>>, vector<1x1x16xf32>,
        %swap3A_742 = arith.constant 7 : i32
        %swap3A_743 = arith.index_cast %scan3A_308 : i32 to index
        %swap3A_744 = arith.index_cast %swap3A_742 : i32 to index
        %swap3A_745 = arith.constant 96 : index
        %swap3A_746 = tpu.vector_load %arg8[%swap3A_743, %swap3A_744, %swap3A_745] {strides = array<i32>} : memref<32x8x128xf32, #tpu.memory_space<vmem>>, vector<1x1x16xf32>,
        %swap3A_747 = vector.shape_cast %swap3A_746 : vector<1x1x16xf32> to vector<16xf32>
        %swap3A_748 = vector.shape_cast %broadcast_in_dim3A_251 : vector<16xf32> to vector<1x1x16xf32>
        tpu.vector_store %arg8[%swap3A_743, %swap3A_744, %swap3A_745], %swap3A_748 {strides = array<i32>} : memref<32x8x128xf32, #tpu.memory_space<vmem>>, vector<1x1x16xf32>,
        %swap3A_749 = arith.constant 7 : i32
        %swap3A_750 = arith.index_cast %scan3A_308 : i32 to index
        %swap3A_751 = arith.index_cast %swap3A_749 : i32 to index
        %swap3A_752 = arith.constant 112 : index
        %swap3A_753 = tpu.vector_load %arg8[%swap3A_750, %swap3A_751, %swap3A_752] {strides = array<i32>} : memref<32x8x128xf32, #tpu.memory_space<vmem>>, vector<1x1x16xf32>,
        %swap3A_754 = vector.shape_cast %swap3A_753 : vector<1x1x16xf32> to vector<16xf32>
        %swap3A_755 = vector.shape_cast %broadcast_in_dim3A_251 : vector<16xf32> to vector<1x1x16xf32>
        tpu.vector_store %arg8[%swap3A_750, %swap3A_751, %swap3A_752], %swap3A_755 {strides = array<i32>} : memref<32x8x128xf32, #tpu.memory_space<vmem>>, vector<1x1x16xf32>,
      }
      %scan3A_257 = arith.constant 32 : i32
      %jit3A_258 = arith.constant 8 : i32
      %div3A_259 = arith.divsi %add3A_222, %jit3A_258 : i32
      %sign3A_260 = arith.constant 0 : i32
      %sign3A_261 = arith.cmpi sgt, %add3A_222, %sign3A_260 : i32
      %sign3A_262 = arith.extui %sign3A_261 : i1 to i32
      %sign3A_263 = arith.constant 0 : i32
      %sign3A_264 = arith.cmpi slt, %add3A_222, %sign3A_263 : i32
      %sign3A_265 = arith.extui %sign3A_264 : i1 to i32
      %sign3A_266 = arith.subi %sign3A_262, %sign3A_265 : i32
      %sign3A_267 = arith.constant 0 : i32
      %sign3A_268 = arith.cmpi sgt, %jit3A_258, %sign3A_267 : i32
      %sign3A_269 = arith.extui %sign3A_268 : i1 to i32
      %sign3A_270 = arith.constant 0 : i32
      %sign3A_271 = arith.cmpi slt, %jit3A_258, %sign3A_270 : i32
      %sign3A_272 = arith.extui %sign3A_271 : i1 to i32
      %sign3A_273 = arith.subi %sign3A_269, %sign3A_272 : i32
      %ne3A_274 = arith.cmpi ne, %sign3A_266, %sign3A_273 : i32
      %rem3A_275 = arith.remsi %add3A_222, %jit3A_258 : i32
      %ne3A_276 = arith.constant 0 : i32
      %ne3A_277 = arith.cmpi ne, %rem3A_275, %ne3A_276 : i32
      %and3A_278 = arith.andi %ne3A_274, %ne3A_277 : i1
      %sub3A_279 = arith.constant 1 : i32
      %sub3A_280 = arith.subi %div3A_259, %sub3A_279 : i32
      %select_n3A_281 = arith.select %and3A_278, %sub3A_280, %div3A_259 : i32
      %jit3A_282 = arith.constant 8 : i32
      %eq3A_283 = arith.constant 0 : i32
      %eq3A_284 = arith.cmpi eq, %jit3A_282, %eq3A_283 : i32
      %jit3A_285 = arith.constant 1 : i32
      %select_n3A_286 = arith.select %eq3A_284, %jit3A_285, %jit3A_282 : i32
      %rem3A_287 = arith.remsi %add3A_222, %select_n3A_286 : i32
      %ne3A_288 = arith.constant 0 : i32
      %ne3A_289 = arith.cmpi ne, %rem3A_287, %ne3A_288 : i32
      %lt3A_290 = arith.constant 0 : i32
      %lt3A_291 = arith.cmpi slt, %rem3A_287, %lt3A_290 : i32
      %lt3A_292 = arith.constant 0 : i32
      %lt3A_293 = arith.cmpi slt, %select_n3A_286, %lt3A_292 : i32
      %ne3A_294 = arith.xori %lt3A_291, %lt3A_293 : i1
      %and3A_295 = arith.andi %ne3A_294, %ne3A_289 : i1
      %add3A_296 = arith.addi %rem3A_287, %select_n3A_286 : i32
      %select_n3A_297 = arith.select %and3A_295, %add3A_296, %rem3A_287 : i32
      %dma_start3A_298 = arith.constant 0 : i32
      %dma_start3A_299 = arith.constant 0 : i32
      %dma_start3A_300 = arith.constant 0 : i32
      %dma_start3A_301 = tpu.memref_slice %arg4[%select_n3A_281, %select_n3A_297, %dma_start3A_298, %dma_start3A_299, %dma_start3A_300] : memref<200x8x32x8x128xf32, #tpu.memory_space<hbm>> -> memref<1x1x32x8x128xf32, #tpu.memory_space<hbm>>
      %dma_start3A_302 = tpu.memref_squeeze %dma_start3A_301 : memref<1x1x32x8x128xf32, #tpu.memory_space<hbm>> -> memref<32x8x128xf32, #tpu.memory_space<hbm>>
      %dma_start3A_303 = arith.constant 0 : i32
      %dma_start3A_304 = arith.constant 0 : i32
      %dma_start3A_305 = arith.constant 0 : i32
      %dma_start3A_306 = tpu.memref_slice %arg4[%select_n3A_281, %select_n3A_297, %dma_start3A_303, %dma_start3A_304, %dma_start3A_305] : memref<200x8x32x8x128xf32, #tpu.memory_space<hbm>> -> memref<1x1x32x8x128xf32, #tpu.memory_space<hbm>>
      %dma_start3A_307 = tpu.memref_squeeze %dma_start3A_306 : memref<1x1x32x8x128xf32, #tpu.memory_space<hbm>> -> memref<32x8x128xf32, #tpu.memory_space<hbm>>
      tpu.enqueue_dma source(%arg8 : memref<32x8x128xf32, #tpu.memory_space<vmem>>) target(%dma_start3A_307 : memref<32x8x128xf32, #tpu.memory_space<hbm>>) target_semaphore(%arg10 : memref<!tpu.dma_semaphore, #tpu.memory_space<semaphore_mem>>)
    }
    %scan3A_9 = arith.constant 25 : i32
    %add3A_10 = arith.constant 50 : i32
    %add3A_11 = arith.addi %mul3A_2, %add3A_10 : i32
    %sub3A = arith.constant 2 : i32
    %sub3A_12 = arith.subi %add3A_11, %sub3A : i32
    %add3A_13 = arith.constant 50 : i32
    %add3A_14 = arith.addi %mul3A_2, %add3A_13 : i32
    %sub3A_15 = arith.constant 1 : i32
    %sub3A_16 = arith.subi %add3A_14, %sub3A_15 : i32
    %jit3A = arith.constant 8 : i32
    %div3A = arith.divsi %sub3A_12, %jit3A : i32
    %sign3A = arith.constant 0 : i32
    %sign3A_17 = arith.cmpi sgt, %sub3A_12, %sign3A : i32
    %sign3A_18 = arith.extui %sign3A_17 : i1 to i32
    %sign3A_19 = arith.constant 0 : i32
    %sign3A_20 = arith.cmpi slt, %sub3A_12, %sign3A_19 : i32
    %sign3A_21 = arith.extui %sign3A_20 : i1 to i32
    %sign3A_22 = arith.subi %sign3A_18, %sign3A_21 : i32
    %sign3A_23 = arith.constant 0 : i32
    %sign3A_24 = arith.cmpi sgt, %jit3A, %sign3A_23 : i32
    %sign3A_25 = arith.extui %sign3A_24 : i1 to i32
    %sign3A_26 = arith.constant 0 : i32
    %sign3A_27 = arith.cmpi slt, %jit3A, %sign3A_26 : i32
    %sign3A_28 = arith.extui %sign3A_27 : i1 to i32
    %sign3A_29 = arith.subi %sign3A_25, %sign3A_28 : i32
    %ne3A = arith.cmpi ne, %sign3A_22, %sign3A_29 : i32
    %rem3A = arith.remsi %sub3A_12, %jit3A : i32
    %ne3A_30 = arith.constant 0 : i32
    %ne3A_31 = arith.cmpi ne, %rem3A, %ne3A_30 : i32
    %and3A = arith.andi %ne3A, %ne3A_31 : i1
    %sub3A_32 = arith.constant 1 : i32
    %sub3A_33 = arith.subi %div3A, %sub3A_32 : i32
    %select_n3A = arith.select %and3A, %sub3A_33, %div3A : i32
    %jit3A_34 = arith.constant 8 : i32
    %eq3A = arith.constant 0 : i32
    %eq3A_35 = arith.cmpi eq, %jit3A_34, %eq3A : i32
    %jit3A_36 = arith.constant 1 : i32
    %select_n3A_37 = arith.select %eq3A_35, %jit3A_36, %jit3A_34 : i32
    %rem3A_38 = arith.remsi %sub3A_12, %select_n3A_37 : i32
    %ne3A_39 = arith.constant 0 : i32
    %ne3A_40 = arith.cmpi ne, %rem3A_38, %ne3A_39 : i32
    %lt3A = arith.constant 0 : i32
    %lt3A_41 = arith.cmpi slt, %rem3A_38, %lt3A : i32
    %lt3A_42 = arith.constant 0 : i32
    %lt3A_43 = arith.cmpi slt, %select_n3A_37, %lt3A_42 : i32
    %ne3A_44 = arith.xori %lt3A_41, %lt3A_43 : i1
    %and3A_45 = arith.andi %ne3A_44, %ne3A_40 : i1
    %add3A_46 = arith.addi %rem3A_38, %select_n3A_37 : i32
    %select_n3A_47 = arith.select %and3A_45, %add3A_46, %rem3A_38 : i32
    %dma_wait3A = arith.constant 0 : i32
    %dma_wait3A_48 = arith.constant 0 : i32
    %dma_wait3A_49 = arith.constant 0 : i32
    %dma_wait3A_50 = tpu.memref_slice %arg4[%select_n3A, %select_n3A_47, %dma_wait3A, %dma_wait3A_48, %dma_wait3A_49] : memref<200x8x32x8x128xf32, #tpu.memory_space<hbm>> -> memref<1x1x32x8x128xf32, #tpu.memory_space<hbm>>
    %dma_wait3A_51 = tpu.memref_squeeze %dma_wait3A_50 : memref<1x1x32x8x128xf32, #tpu.memory_space<hbm>> -> memref<32x8x128xf32, #tpu.memory_space<hbm>>
    %dma_wait3A_52 = arith.constant 0 : i32
    %dma_wait3A_53 = arith.constant 0 : i32
    %dma_wait3A_54 = arith.constant 0 : i32
    %dma_wait3A_55 = tpu.memref_slice %arg4[%select_n3A, %select_n3A_47, %dma_wait3A_52, %dma_wait3A_53, %dma_wait3A_54] : memref<200x8x32x8x128xf32, #tpu.memory_space<hbm>> -> memref<1x1x32x8x128xf32, #tpu.memory_space<hbm>>
    %dma_wait3A_56 = tpu.memref_squeeze %dma_wait3A_55 : memref<1x1x32x8x128xf32, #tpu.memory_space<hbm>> -> memref<32x8x128xf32, #tpu.memory_space<hbm>>
    tpu.wait_dma2 semaphore(%arg9 : memref<!tpu.dma_semaphore, #tpu.memory_space<semaphore_mem>>) src(%arg7 : memref<32x8x128xf32, #tpu.memory_space<vmem>>) dst(%dma_wait3A_56 : memref<32x8x128xf32, #tpu.memory_space<hbm>>)
    %jit3A_57 = arith.constant 8 : i32
    %div3A_58 = arith.divsi %sub3A_16, %jit3A_57 : i32
    %sign3A_59 = arith.constant 0 : i32
    %sign3A_60 = arith.cmpi sgt, %sub3A_16, %sign3A_59 : i32
    %sign3A_61 = arith.extui %sign3A_60 : i1 to i32
    %sign3A_62 = arith.constant 0 : i32
    %sign3A_63 = arith.cmpi slt, %sub3A_16, %sign3A_62 : i32
    %sign3A_64 = arith.extui %sign3A_63 : i1 to i32
    %sign3A_65 = arith.subi %sign3A_61, %sign3A_64 : i32
    %sign3A_66 = arith.constant 0 : i32
    %sign3A_67 = arith.cmpi sgt, %jit3A_57, %sign3A_66 : i32
    %sign3A_68 = arith.extui %sign3A_67 : i1 to i32
    %sign3A_69 = arith.constant 0 : i32
    %sign3A_70 = arith.cmpi slt, %jit3A_57, %sign3A_69 : i32
    %sign3A_71 = arith.extui %sign3A_70 : i1 to i32
    %sign3A_72 = arith.subi %sign3A_68, %sign3A_71 : i32
    %ne3A_73 = arith.cmpi ne, %sign3A_65, %sign3A_72 : i32
    %rem3A_74 = arith.remsi %sub3A_16, %jit3A_57 : i32
    %ne3A_75 = arith.constant 0 : i32
    %ne3A_76 = arith.cmpi ne, %rem3A_74, %ne3A_75 : i32
    %and3A_77 = arith.andi %ne3A_73, %ne3A_76 : i1
    %sub3A_78 = arith.constant 1 : i32
    %sub3A_79 = arith.subi %div3A_58, %sub3A_78 : i32
    %select_n3A_80 = arith.select %and3A_77, %sub3A_79, %div3A_58 : i32
    %jit3A_81 = arith.constant 8 : i32
    %eq3A_82 = arith.constant 0 : i32
    %eq3A_83 = arith.cmpi eq, %jit3A_81, %eq3A_82 : i32
    %jit3A_84 = arith.constant 1 : i32
    %select_n3A_85 = arith.select %eq3A_83, %jit3A_84, %jit3A_81 : i32
    %rem3A_86 = arith.remsi %sub3A_16, %select_n3A_85 : i32
    %ne3A_87 = arith.constant 0 : i32
    %ne3A_88 = arith.cmpi ne, %rem3A_86, %ne3A_87 : i32
    %lt3A_89 = arith.constant 0 : i32
    %lt3A_90 = arith.cmpi slt, %rem3A_86, %lt3A_89 : i32
    %lt3A_91 = arith.constant 0 : i32
    %lt3A_92 = arith.cmpi slt, %select_n3A_85, %lt3A_91 : i32
    %ne3A_93 = arith.xori %lt3A_90, %lt3A_92 : i1
    %and3A_94 = arith.andi %ne3A_93, %ne3A_88 : i1
    %add3A_95 = arith.addi %rem3A_86, %select_n3A_85 : i32
    %select_n3A_96 = arith.select %and3A_94, %add3A_95, %rem3A_86 : i32
    %dma_wait3A_97 = arith.constant 0 : i32
    %dma_wait3A_98 = arith.constant 0 : i32
    %dma_wait3A_99 = arith.constant 0 : i32
    %dma_wait3A_100 = tpu.memref_slice %arg4[%select_n3A_80, %select_n3A_96, %dma_wait3A_97, %dma_wait3A_98, %dma_wait3A_99] : memref<200x8x32x8x128xf32, #tpu.memory_space<hbm>> -> memref<1x1x32x8x128xf32, #tpu.memory_space<hbm>>
    %dma_wait3A_101 = tpu.memref_squeeze %dma_wait3A_100 : memref<1x1x32x8x128xf32, #tpu.memory_space<hbm>> -> memref<32x8x128xf32, #tpu.memory_space<hbm>>
    %dma_wait3A_102 = arith.constant 0 : i32
    %dma_wait3A_103 = arith.constant 0 : i32
    %dma_wait3A_104 = arith.constant 0 : i32
    %dma_wait3A_105 = tpu.memref_slice %arg4[%select_n3A_80, %select_n3A_96, %dma_wait3A_102, %dma_wait3A_103, %dma_wait3A_104] : memref<200x8x32x8x128xf32, #tpu.memory_space<hbm>> -> memref<1x1x32x8x128xf32, #tpu.memory_space<hbm>>
    %dma_wait3A_106 = tpu.memref_squeeze %dma_wait3A_105 : memref<1x1x32x8x128xf32, #tpu.memory_space<hbm>> -> memref<32x8x128xf32, #tpu.memory_space<hbm>>
    tpu.wait_dma2 semaphore(%arg10 : memref<!tpu.dma_semaphore, #tpu.memory_space<semaphore_mem>>) src(%arg8 : memref<32x8x128xf32, #tpu.memory_space<vmem>>) dst(%dma_wait3A_106 : memref<32x8x128xf32, #tpu.memory_space<hbm>>)
    return
  }
}

</mosaic_0001>

<sc_bundles>
// kernel: kernel.3.cloned.1.call-start
scs
__scs_entry_jumppad:
0x0: {  	(pc) =	sbr.rel $0x88, $3  }
0x1: {  	(tag) =	ssettag $0x0;
	lr =	simm.s32 $0x1  }
0x2: {  	[smem:$0x3F9F] =	sst lr;
	_ =	strace $0xD0000000  }
0x3: {  	_ = 	snop  }
0x4: {  	_ = 	snop  }
0x5: {  	_ = 	snop  }
0x6: {  	_ = 	snop  }
0x7: {  	_ = 	snop  }
__scs_overlays_trampoline_lowered:
0x8: {  	[smem:$0x3FAE] =	sst s0  }
0x9: {  	[smem:$0x3FAF] =	sst s1  }
0xa: {  	[smem:$0x3FB0] =	sst s2  }
0xb: {  	[smem:$0x3FB1] =	sst s3  }
0xc: {  	[smem:$0x3FB2] =	sst s4  }
0xd: {  	[smem:$0x3FB3] =	sst s5  }
0xe: {  	[smem:$0x3FB4] =	sst s6  }
0xf: {  	[smem:$0x3FB5] =	sst s7  }
0x10: {  	[smem:$0x3FB6] =	sst s8  }
0x11: {  	[smem:$0x3FB7] =	sst s9;
	s0 =	simm.s32 @!p0 $0x0  }
0x12: {  	s1 =	sld [smem:$0x3F9D];
	s0 =	simm.s32 @p0 $0x1  }
0x13: {  	[smem:$0x3FB8] =	sst s0;
	s0 =	simm.s32 @!p1 $0x0  }
0x14: {  	s2 =	sld [smem:$0x3F9C];
	s0 =	simm.s32 @p1 $0x1  }
0x15: {  	[smem:$0x3FB9] =	sst s0;
	s0 =	simm.s32 @!p2 $0x0  }
0x16: {  	s3 =	sld [smem:$0x3FDB];
	s0 =	simm.s32 @p2 $0x1  }
0x17: {  	s4 =	simm.s32 $0x1BF5;
	[smem:$0x3FBB] =	sst s0  }
0x18: {  	s0 =	sld [smem:$0x3F9E];
	_ =	swait.ge [sflag:s4], $0x0  }
0x19: {  	s7 =	sld [smem:$0x3F9F]  }
0x1a: {  	s8 =	sadd.s32 $0xFFFFE003, lr  }
0x1b: {  	s9 =	sadd.s32 $0xFFFFFEF7, lr;
	s5 =	simm.s32 $0xFFFFFFFF;
	p2 =	slt.u32 s8, $0xFFFFF086  }
0x1c: {  	p1 =	slt.u32 s9, $0xF7A;
	s5 =	simm.s32 @!p2 $0x0  }
0x1d: {  	s5 =	simm.s32 @p1 $0x1;
	p0 =	seq.s32 s7, s2  }
0x1e: {  	s7 =	smul.u32 @!p0 $0xF7A, s2;
	p2 =	seq.s32 @!p0 s5, $0x0  }
0x1f: {  	s9 =	smul.u32 $0xF7A, s1;
	s8 =	simm.s32 @!p0 $0x1BF5;
	p2 =	por !p2, p0  }
0x20: {  	[sflag:s8] =	ssyncset.s32 @!p0 $0xFFFFF086;
	s6 =	sadd.s32 @!p0 s3, s7;
	s7 =	simm.s32 @!p0 $0x108  }
0x21: {  	s3 =	sadd.s32 s3, s9;
	s6 =	sadd.s32 @!p0 $0x88, s6;
	s7 =	simm.s32 @p2 $0x1082  }
0x22: {  	[simem:s7], [sflag:s8] =	dma.local @!p0 [hbm:s6], $0xF7A  }
0x23: {  	s9 =	sor.u32 $0xD0000000, s2;
	s6 =	simm.s32 $0x108;
	_ =	swait.ge @!p0 [sflag:s8], $0x0  }
0x24: {  	s3 =	sadd.s32 $0x88, s3;
	s6 =	simm.s32 @!p1 $0x1082;
	[sflag:s4] =	ssyncset.s32 $0xFFFFF086  }
0x25: {  	[simem:s6], [sflag:s4] =	dma.local [hbm:s3], $0xF7A  }
0x26: {  	[smem:$0x3F9F] =	sst s1;
	(tag) =	ssettag s2;
	_ =	strace s9  }
0x27: {  	s1 =	sld [smem:$0x3FAF]  }
0x28: {  	s2 =	sld [smem:$0x3FB0]  }
0x29: {  	s4 =	sld [smem:$0x3FB2]  }
0x2a: {  	p0 =	seq.s32 s5, $0x0;
	s5 =	sld [smem:$0x3FB3]  }
0x2b: {  	s6 =	sld [smem:$0x3FB4]  }
0x2c: {  	s7 =	sld [smem:$0x3FB5]  }
0x2d: {  	s3 =	simm.s32 $0x108;
	s8 =	sld [smem:$0x3FB6]  }
0x2e: {  	s3 =	simm.s32 @!p0 $0x1082;
	s9 =	sld [smem:$0x3FB7]  }
0x2f: {  	lr =	sadd.s32 s0, s3;
	s0 =	sld [smem:$0x3FAE]  }
0x30: {  	s3 =	sld [smem:$0x3FB1]  }
0x31: {  	[smem:$0x3FBA] =	sst s10  }
0x32: {  	s10 =	sld [smem:$0x3FB8];
	_ =	sdelay $0x3  }
0x33: {  	p0 =	seq.s32 s10, $0x1;
	s10 =	sld [smem:$0x3FBA];
	_ =	sdelay $0x3  }
0x34: {  	[smem:$0x3FBA] =	sst s10  }
0x35: {  	s10 =	sld [smem:$0x3FB9];
	_ =	sdelay $0x3  }
0x36: {  	p1 =	seq.s32 s10, $0x1;
	s10 =	sld [smem:$0x3FBA];
	_ =	sdelay $0x3  }
0x37: {  	[smem:$0x3FBA] =	sst s10  }
0x38: {  	s10 =	sld [smem:$0x3FBB]  }
0x39: {  	_ = 	snop;
	(pc) =	sbr.ind lr, $3  }
0x3a: {  	_ = 	snop  }
0x3b: {  	_ = 	snop  }
0x3c: {  	p2 =	seq.s32 s10, $0x1;
	s10 =	sld [smem:$0x3FBA]  }
0x3d: {  	_ =	shalt  }
0x3e: {  	_ =	shalt  }
0x3f: {  	_ =	shalt  }
0x40: {  	_ =	shalt  }
0x41: {  	_ =	shalt  }
0x42: {  	_ =	shalt  }
0x43: {  	_ =	shalt  }
0x44: {  	_ =	shalt  }
0x45: {  	_ =	shalt  }
0x46: {  	_ =	shalt  }
0x47: {  	_ =	shalt  }
0x48: {  	_ =	shalt  }
0x49: {  	_ =	shalt  }
0x4a: {  	_ =	shalt  }
0x4b: {  	_ =	shalt  }
0x4c: {  	_ =	shalt  }
0x4d: {  	_ =	shalt  }
0x4e: {  	_ =	shalt  }
0x4f: {  	_ =	shalt  }
0x50: {  	_ =	shalt  }
0x51: {  	_ =	shalt  }
0x52: {  	_ =	shalt  }
0x53: {  	_ =	shalt  }
0x54: {  	_ =	shalt  }
0x55: {  	_ =	shalt  }
0x56: {  	_ =	shalt  }
0x57: {  	_ =	shalt  }
0x58: {  	_ =	shalt  }
0x59: {  	_ =	shalt  }
0x5a: {  	_ =	shalt  }
0x5b: {  	_ =	shalt  }
0x5c: {  	_ =	shalt  }
0x5d: {  	_ =	shalt  }
0x5e: {  	_ =	shalt  }
0x5f: {  	_ =	shalt  }
0x60: {  	_ =	shalt  }
0x61: {  	_ =	shalt  }
0x62: {  	_ =	shalt  }
0x63: {  	_ =	shalt  }
0x64: {  	_ =	shalt  }
0x65: {  	_ =	shalt  }
0x66: {  	_ =	shalt  }
0x67: {  	_ =	shalt  }
0x68: {  	_ =	shalt  }
0x69: {  	_ =	shalt  }
0x6a: {  	_ =	shalt  }
0x6b: {  	_ =	shalt  }
0x6c: {  	_ =	shalt  }
0x6d: {  	_ =	shalt  }
0x6e: {  	_ =	shalt  }
0x6f: {  	_ =	shalt  }
0x70: {  	_ =	shalt  }
0x71: {  	_ =	shalt  }
0x72: {  	_ =	shalt  }
0x73: {  	_ =	shalt  }
0x74: {  	_ =	shalt  }
0x75: {  	_ =	shalt  }
0x76: {  	_ =	shalt  }
0x77: {  	_ =	shalt  }
0x78: {  	_ =	shalt  }
0x79: {  	_ =	shalt  }
0x7a: {  	_ =	shalt  }
0x7b: {  	_ =	shalt  }
0x7c: {  	_ =	shalt  }
0x7d: {  	_ =	shalt  }
0x7e: {  	_ =	shalt  }
0x7f: {  	_ =	shalt  }
0x80: {  	_ =	shalt  }
0x81: {  	_ =	shalt  }
0x82: {  	_ =	shalt  }
0x83: {  	_ =	shalt  }
0x84: {  	_ =	shalt  }
0x85: {  	_ =	shalt  }
0x86: {  	_ =	shalt  }
0x87: {  	_ =	shalt  }
.Lfunc_end0:
.L_simem_size_0:
called_computation_lowered:
.L_overlay_start_0:
0x88: {  	s2 =	sld [smem:$0x3FD9]  }
0x89: {  	s3 =	sld [smem:$0x3FFE];
	_ =	sdelay $0x1  }
0x8a: {  	s1 =	srdreg.scid  }
0x8b: {  	s0 =	sand.u32 $0x1, s1  }
0x8c: {  	s17 =	sshll.u32 s0, $0xA;
	s2 =	sadd.s32 s3, s2  }
0x8d: {  	s2 =	sadd.s32 s2, s17  }
0x8e: {  	[smem:$0x3FC6] =	sst s2  }
0x8f: {  	_ = 	snop  }
0x90: {  	s2 =	sld [smem:$0x3FC8]  }
0x91: {  	s18 =	sld [smem:$0x3FD0];
	(tm) =	ssettm $0x1  }
0x92: {  	s4 =	sld [smem:$0x3FFB];
	_ =	sdelay $0x3  }
0x93: {  	_ =	strace s4  }
0x94: {  	s4 =	sld [smem:$0x3FFC];
	_ =	sdelay $0x3  }
0x95: {  	_ =	strace s4  }
0x96: {  	s4 =	sld [smem:$0x3FFD];
	_ =	sdelay $0x3  }
0x97: {  	_ =	strace s4  }
0x98: {  	_ =	strace $0x8FFFFFFF  }
0x99: {  	s19 =	sld [smem:$0x3FDB];
	_ =	sdelay $0x1  }
0x9a: {  	s5 =	simm.s32 $_scs_section_size  }
0x9b: {  	s6 =	simm.s32 $_size__tile_overlayer_lowered;
	s7 =	simm.s32 $_tile_overlayer_lowered  }
0x9c: {  	s22 =	simm.s32 $0x1BFF;
	s21 =	sshll.u32 s7, $0x1;
	s4 =	sadd.s32 s5, s19  }
0x9d: {  	s8 =	simm.s32 $0x0;
	s20 =	sshll.u32 s6, $0x1;
	s6 =	sadd.s32 s21, s4  }
0x9e: {  	[timem:s8], [sflag:s22] =	dma.local [hbm:s6], s20  }
0x9f: {  	_ =	swait.ge [sflag:s22], s20  }
0xa0: {  	s5 =	ssub.s32 $0x0, s20;
	[sflag:s22] =	ssyncset.done $0x0  }
0xa1: {  	[sflag:s22] =	ssyncadd.s32 s5;
	_ =	sdelay $0x1  }
0xa2: {  	s23 =	simm.s32 $0x1B8B  }
0xa3: {  	_ =	swait.ge [sflag:s23], $0x1  }
0xa4: {  	[sflag:s23] =	ssyncset.done $0x0  }
0xa5: {  	s25 =	simm.s32 $0x1B8E;
	s24 =	sld [smem:$0x3FFE];
	[sflag:s23] =	ssyncadd.s32 $0xFFFFFFFF  }
0xa6: {  	s26 =	simm.s32 $execute0_lowered;
	[smem:$0x3FD2] =	sst s25  }
0xa7: {  	s6 =	sshll.u32 s26, $0x1;
	_ =	strace $0x80000046;
	[dreg:$0x1] =	wrdreg $0xFFFFFFFF  }
0xa8: {  	s28 =	simm.s32 $_size_execute0_lowered;
	s4 =	sadd.s32 s4, s6;
	[dreg:$0x0] =	wrdreg $0x0  }
0xa9: {  	s6 =	sshll.u32 s28, $0x1;
	[dreg:$0x2] =	wrdreg s4  }
0xaa: {  	[dreg:$0x3] =	wrdreg s6  }
0xab: {  	[dreg:$0x4] =	wrdreg $0xC0  }
0xac: {  	_ =	task [dreg:s8], $0x5FFFF  }
0xad: {  	[dreg:$0x1] =	wrdreg $0xFFFFFFFF  }
0xae: {  	[dreg:$0x0] =	wrdreg $0x60  }
0xaf: {  	[dreg:$0x2] =	wrdreg s24  }
0xb0: {  	[dreg:$0x3] =	wrdreg s2  }
0xb1: {  	[dreg:$0x4] =	wrdreg s18  }
0xb2: {  	[dreg:$0x5] =	wrdreg $0x9  }
0xb3: {  	_ =	task.clear_ibuf [dreg:s8], $0x6FFFF;
	_ =	strace $0x90000046  }
0xb4: {  	s29 =	simm.s32 $0x9;
	_ =	strace $0x80000048  }
0xb5: {  	_ =	swait.ge [sflag:s29], $0x1  }
0xb6: {  	[sflag:s29] =	ssyncadd.s32 $0xFFFFFFFF  }
0xb7: {  	_ =	strace $0x90000048  }
0xb8: {  	_ =	sfence  }
0xb9: {  	s30 =	sld [smem:$0x0];
	_ =	sdelay $0x2  }
0xba: {  	s31 =	sshll.u32 s1, $0xD;
	s1 =	sshrl.u32 s1, $0x2  }
0xbb: {  	s3 =	sand.u32 $0x4000, s31;
	s1 =	sadd.s32 s1, s30  }
0xbc: {  	s0 =	sor.u32 s3, s0;
	s1 =	sshll.u32 s1, $0x11  }
0xbd: {  	s0 =	sor.u32 s1, s0  }
0xbe: {  	s0 =	sadd.s32 $0x8F2B, s0  }
0xbf: {  	[sflag:s0] =	ssyncadd.remote.s32 $0x1  }
0xc0: {  	_ =	sfence.sel $0xFFFF  }
0xc1: {  	[dreg:$0x0] =	wrdreg $0xFFFFFFFF;
	(pc) =	sbr.abs _section_cstart, $3  }
0xc2: {  	[dreg:$0x1] =	wrdreg $0xFFFFFFFF  }
0xc3: {  	_ =	task.clear_ibuf [dreg:s8], $0x2FFFF;
	_ =	strace $0x9FFFFFFF  }
0xc4: {  	(tm) =	ssettm $0x7FFFFFFF  }
0xc5: {  	_ =	shalt  }
tec
execute0_lowered:
.L_overlay_start_1:
0x0: {  	(tag) =	ssettag $0x1  }
0x1: {  	s6 =	rddreg [dreg:$0x0]  }
0x2: {  	s1 =	srdreg.scid;
	s2 =	rddreg [dreg:$0x1]  }
0x3: {  	s0 =	stileid.u32;
	s3 =	rddreg [dreg:$0x2]  }
0x4: {  	s5 =	simm.s32 $0x0;
	s10 =	simm.s32 $0x3;
	s11 =	simm.s32 $0x200  }
0x5: {  	s12 =	simm.s32 $0x280;
	s7 =	sand.u32 $0x1, s1;
	s30 =	sshll.u32 s0, $0x1  }
0x6: {  	s13 =	simm.s32 $0x8280;
	s14 =	simm.s32 $0x1;
	s8 =	sor.u32 s7, s30  }
0x7: {  	s15 =	simm.s32 $0x2;
	s1 =	rddreg [dreg:$0x3];
	s4 =	smul.u32 $0x190, s8  }
0x8: {  	s16 =	simm.s32 $0x0;
	[smem:$0x7FF] =	sst s5;
	s7 =	ssub.s32 $0x2, s7  }
0x9: {  	_ =	strace $0x80000047;
	s31 =	sshrl.u32 s7, $0x1;
	s9 =	sshrl.u32 s4, $0x3  }
0xa: {  	s6 =	sadd.s32 s9, s6;
	s9 =	ssub.s32 s7, s31;
	s7 =	smul.u32 $0x32000, s8  }
0xb: {  	s8 =	sadd.s32 $0x1000, s3;
	s6 =	sadd.s32 $0x400, s6;
	s9 =	smax.u32 s9, $0x1  }
.LBB2_1:
0xc: {  	[tilespmem:s5], [sflag:$0x3] =	stream.linear.gather [hbm4b:s6+s5], $0x190, $0x38;
	[tilespmem:$0x10280] =	vst v63  }
0xd: {  	_ =	swait.ge [sflag:s10], $0x190  }
0xe: {  	[sflag:s10] =	ssyncset.done $0x0  }
0xf: {  	[sflag:s10] =	ssyncadd.s32 $0xFFFFFE70  }
0x10: {  	[tilespmem:s11], [sflag:$0x3] =	stream.linear.gather [hbm4b:s2+s5], $0x80, $0x38;
	[tilespmem:$0x10280] =	vst v63  }
0x11: {  	_ =	swait.ge [sflag:s10], $0x80  }
0x12: {  	[sflag:s10] =	ssyncset.done $0x0  }
0x13: {  	s17 =	simm.s32 $0x0;
	[sflag:s10] =	ssyncadd.s32 $0xFFFFFF80  }
.LBB2_2:
0x14: {  	s18 =	sshll.u32 s17, $0x4  }
0x15: {  	s19 =	sadd.s32 s4, s18  }
0x16: {  	v0 =	vld [tilespmem:s18+$0x0];
	s31 =	sand.u32 $0x30, s19  }
0x17: {  	v1 =	vld [tilespmem:s31+$0x200];
	_ =	sdelay $0x4  }
0x18: {  	v0 =	vadd.f32 v1, v0  }
0x19: {  	p0 =	seq.s32 s17, $0x0  }
0x1a: {  	s18 =	simm.s32 @!p0 $0x1;
	v8 =	vbroadcast v0, $0x0;
	v7 =	vbroadcast v0, $0x1  }
0x1b: {  	_ =	swait.ge @!p0 [sflag:s18], $0x8000;
	v6 =	vbroadcast v0, $0x2;
	v5 =	vbroadcast v0, $0x3  }
0x1c: {  	[sflag:s18] =	ssyncset.done @!p0 $0x0;
	v4 =	vbroadcast v0, $0x4;
	v1 =	vbroadcast v0, $0x7  }
0x1d: {  	s19 =	simm.s32 $0x0;
	[sflag:s18] =	ssyncadd.s32 @!p0 $0xFFFF8000;
	s18 =	simm.s32 $0x1000;
	v3 =	vbroadcast v0, $0x5;
	v2 =	vbroadcast v0, $0x6  }
.LBB2_3:
0x1e: {  	p1 =	sne.s32 s18, $0x1F000;
	[tilespmem:s19+$0x670] =	vst v1  }
0x1f: {  	[tilespmem:s19+$0x280] =	vst v8  }
0x20: {  	[tilespmem:s19+$0x290] =	vst v8  }
0x21: {  	[tilespmem:s19+$0x2A0] =	vst v8  }
0x22: {  	[tilespmem:s19+$0x2B0] =	vst v8  }
0x23: {  	[tilespmem:s19+$0x2C0] =	vst v8  }
0x24: {  	[tilespmem:s19+$0x2D0] =	vst v8  }
0x25: {  	[tilespmem:s19+$0x2E0] =	vst v8  }
0x26: {  	[tilespmem:s19+$0x2F0] =	vst v8  }
0x27: {  	[tilespmem:s19+$0x300] =	vst v7  }
0x28: {  	[tilespmem:s19+$0x310] =	vst v7  }
0x29: {  	[tilespmem:s19+$0x320] =	vst v7  }
0x2a: {  	[tilespmem:s19+$0x330] =	vst v7  }
0x2b: {  	[tilespmem:s19+$0x340] =	vst v7  }
0x2c: {  	[tilespmem:s19+$0x350] =	vst v7  }
0x2d: {  	[tilespmem:s19+$0x360] =	vst v7  }
0x2e: {  	[tilespmem:s19+$0x370] =	vst v7  }
0x2f: {  	[tilespmem:s19+$0x380] =	vst v6  }
0x30: {  	[tilespmem:s19+$0x390] =	vst v6  }
0x31: {  	[tilespmem:s19+$0x3A0] =	vst v6  }
0x32: {  	[tilespmem:s19+$0x3B0] =	vst v6  }
0x33: {  	[tilespmem:s19+$0x3C0] =	vst v6  }
0x34: {  	[tilespmem:s19+$0x3D0] =	vst v6  }
0x35: {  	[tilespmem:s19+$0x3E0] =	vst v6  }
0x36: {  	[tilespmem:s19+$0x3F0] =	vst v6  }
0x37: {  	[tilespmem:s19+$0x400] =	vst v5  }
0x38: {  	[tilespmem:s19+$0x410] =	vst v5  }
0x39: {  	[tilespmem:s19+$0x420] =	vst v5  }
0x3a: {  	[tilespmem:s19+$0x430] =	vst v5  }
0x3b: {  	[tilespmem:s19+$0x440] =	vst v5  }
0x3c: {  	[tilespmem:s19+$0x450] =	vst v5  }
0x3d: {  	[tilespmem:s19+$0x460] =	vst v5  }
0x3e: {  	[tilespmem:s19+$0x470] =	vst v5  }
0x3f: {  	[tilespmem:s19+$0x480] =	vst v4  }
0x40: {  	[tilespmem:s19+$0x490] =	vst v4  }
0x41: {  	[tilespmem:s19+$0x4A0] =	vst v4  }
0x42: {  	[tilespmem:s19+$0x4B0] =	vst v4  }
0x43: {  	[tilespmem:s19+$0x4C0] =	vst v4  }
0x44: {  	[tilespmem:s19+$0x4D0] =	vst v4  }
0x45: {  	[tilespmem:s19+$0x4E0] =	vst v4  }
0x46: {  	[tilespmem:s19+$0x4F0] =	vst v4  }
0x47: {  	[tilespmem:s19+$0x500] =	vst v3  }
0x48: {  	[tilespmem:s19+$0x510] =	vst v3  }
0x49: {  	[tilespmem:s19+$0x520] =	vst v3  }
0x4a: {  	[tilespmem:s19+$0x530] =	vst v3  }
0x4b: {  	[tilespmem:s19+$0x540] =	vst v3  }
0x4c: {  	[tilespmem:s19+$0x550] =	vst v3  }
0x4d: {  	[tilespmem:s19+$0x560] =	vst v3  }
0x4e: {  	[tilespmem:s19+$0x570] =	vst v3  }
0x4f: {  	[tilespmem:s19+$0x580] =	vst v2  }
0x50: {  	[tilespmem:s19+$0x590] =	vst v2  }
0x51: {  	[tilespmem:s19+$0x5A0] =	vst v2  }
0x52: {  	[tilespmem:s19+$0x5B0] =	vst v2  }
0x53: {  	[tilespmem:s19+$0x5C0] =	vst v2  }
0x54: {  	[tilespmem:s19+$0x5D0] =	vst v2  }
0x55: {  	[tilespmem:s19+$0x5E0] =	vst v2  }
0x56: {  	[tilespmem:s19+$0x5F0] =	vst v2  }
0x57: {  	[tilespmem:s19+$0x600] =	vst v1  }
0x58: {  	[tilespmem:s19+$0x610] =	vst v1  }
.Ltmp0:
0x59: {  	[tilespmem:s19+$0x620] =	vst v1;
	(pc) =	sbr.rel @p1 .LBB2_3-.Ltmp0, $4  }
0x5a: {  	[tilespmem:s19+$0x630] =	vst v1  }
0x5b: {  	[tilespmem:s19+$0x640] =	vst v1  }
0x5c: {  	[tilespmem:s19+$0x650] =	vst v1  }
0x5d: {  	[tilespmem:s19+$0x660] =	vst v1;
	s19 =	sshra.s32 s18, $0x2;
	s18 =	sadd.s32 $0x1000, s18  }
0x5e: {  	[tilespmem:s19+$0x670] =	vst v1  }
0x5f: {  	[tilespmem:s19+$0x280] =	vst v8  }
0x60: {  	[tilespmem:s19+$0x290] =	vst v8  }
0x61: {  	[tilespmem:s19+$0x2A0] =	vst v8  }
0x62: {  	[tilespmem:s19+$0x2B0] =	vst v8  }
0x63: {  	[tilespmem:s19+$0x2C0] =	vst v8  }
0x64: {  	[tilespmem:s19+$0x2D0] =	vst v8  }
0x65: {  	[tilespmem:s19+$0x2E0] =	vst v8  }
0x66: {  	[tilespmem:s19+$0x2F0] =	vst v8  }
0x67: {  	[tilespmem:s19+$0x300] =	vst v7  }
0x68: {  	[tilespmem:s19+$0x310] =	vst v7  }
0x69: {  	[tilespmem:s19+$0x320] =	vst v7  }
0x6a: {  	[tilespmem:s19+$0x330] =	vst v7  }
0x6b: {  	[tilespmem:s19+$0x340] =	vst v7  }
0x6c: {  	[tilespmem:s19+$0x350] =	vst v7  }
0x6d: {  	[tilespmem:s19+$0x360] =	vst v7  }
0x6e: {  	[tilespmem:s19+$0x370] =	vst v7  }
0x6f: {  	[tilespmem:s19+$0x380] =	vst v6  }
0x70: {  	[tilespmem:s19+$0x390] =	vst v6  }
0x71: {  	[tilespmem:s19+$0x3A0] =	vst v6  }
0x72: {  	[tilespmem:s19+$0x3B0] =	vst v6  }
0x73: {  	[tilespmem:s19+$0x3C0] =	vst v6  }
0x74: {  	[tilespmem:s19+$0x3D0] =	vst v6  }
0x75: {  	[tilespmem:s19+$0x3E0] =	vst v6  }
0x76: {  	[tilespmem:s19+$0x3F0] =	vst v6  }
0x77: {  	[tilespmem:s19+$0x400] =	vst v5  }
0x78: {  	[tilespmem:s19+$0x410] =	vst v5  }
0x79: {  	[tilespmem:s19+$0x420] =	vst v5  }
0x7a: {  	[tilespmem:s19+$0x430] =	vst v5  }
0x7b: {  	[tilespmem:s19+$0x440] =	vst v5  }
0x7c: {  	[tilespmem:s19+$0x450] =	vst v5  }
0x7d: {  	[tilespmem:s19+$0x460] =	vst v5  }
0x7e: {  	[tilespmem:s19+$0x470] =	vst v5  }
0x7f: {  	[tilespmem:s19+$0x480] =	vst v4  }
0x80: {  	[tilespmem:s19+$0x490] =	vst v4  }
0x81: {  	[tilespmem:s19+$0x4A0] =	vst v4  }
0x82: {  	[tilespmem:s19+$0x4B0] =	vst v4  }
0x83: {  	[tilespmem:s19+$0x4C0] =	vst v4  }
0x84: {  	[tilespmem:s19+$0x4D0] =	vst v4  }
0x85: {  	[tilespmem:s19+$0x4E0] =	vst v4  }
0x86: {  	[tilespmem:s19+$0x4F0] =	vst v4  }
0x87: {  	[tilespmem:s19+$0x500] =	vst v3  }
0x88: {  	[tilespmem:s19+$0x510] =	vst v3  }
0x89: {  	[tilespmem:s19+$0x520] =	vst v3  }
0x8a: {  	[tilespmem:s19+$0x530] =	vst v3  }
0x8b: {  	[tilespmem:s19+$0x540] =	vst v3  }
0x8c: {  	[tilespmem:s19+$0x550] =	vst v3  }
0x8d: {  	[tilespmem:s19+$0x560] =	vst v3  }
0x8e: {  	[tilespmem:s19+$0x570] =	vst v3  }
0x8f: {  	[tilespmem:s19+$0x580] =	vst v2  }
0x90: {  	[tilespmem:s19+$0x590] =	vst v2  }
0x91: {  	[tilespmem:s19+$0x5A0] =	vst v2  }
0x92: {  	[tilespmem:s19+$0x5B0] =	vst v2  }
0x93: {  	[tilespmem:s19+$0x5C0] =	vst v2  }
0x94: {  	[tilespmem:s19+$0x5D0] =	vst v2  }
0x95: {  	[tilespmem:s19+$0x5E0] =	vst v2  }
0x96: {  	[tilespmem:s19+$0x5F0] =	vst v2  }
0x97: {  	[tilespmem:s19+$0x600] =	vst v1  }
0x98: {  	[tilespmem:s19+$0x610] =	vst v1  }
0x99: {  	[tilespmem:s19+$0x620] =	vst v1  }
0x9a: {  	[tilespmem:s19+$0x630] =	vst v1  }
0x9b: {  	[tilespmem:s19+$0x640] =	vst v1;
	s18 =	sshll.u32 s17, $0xD  }
0x9c: {  	[tilespmem:s19+$0x650] =	vst v1;
	s18 =	sadd.s32 s7, s18  }
0x9d: {  	[tilespmem:s19+$0x660] =	vst v1;
	s19 =	simm.s32 @!p0 $0x2;
	v7 =	vbroadcast v0, $0x8;
	v6 =	vbroadcast v0, $0x9;
	s31 =	sadd.s32 s3, s18  }
0x9e: {  	v5 =	vbroadcast v0, $0xA;
	v4 =	vbroadcast v0, $0xB;
	[hbm4b:s31+s5] =	stream.linear.scatter [tilespmem:s12], [sflag:$0x1], $0x8000, $0x38;
	[tilespmem:$0x10280] =	vst v63  }
0x9f: {  	v3 =	vbroadcast v0, $0xC;
	v2 =	vbroadcast v0, $0xD;
	_ =	swait.ge @!p0 [sflag:s19], $0x8000  }
0xa0: {  	v1 =	vbroadcast v0, $0xE;
	v0 =	vbroadcast v0, $0xF;
	[sflag:s19] =	ssyncset.done @!p0 $0x0  }
0xa1: {  	s20 =	simm.s32 $0x1000;
	[sflag:s19] =	ssyncadd.s32 @!p0 $0xFFFF8000;
	s19 =	simm.s32 $0x0  }
.LBB2_5:
0xa2: {  	p0 =	sne.s32 s20, $0x1F000;
	[tilespmem:s19+$0x8670] =	vst v0  }
0xa3: {  	[tilespmem:s19+$0x8280] =	vst v7  }
0xa4: {  	[tilespmem:s19+$0x8290] =	vst v7  }
0xa5: {  	[tilespmem:s19+$0x82A0] =	vst v7  }
0xa6: {  	[tilespmem:s19+$0x82B0] =	vst v7  }
0xa7: {  	[tilespmem:s19+$0x82C0] =	vst v7  }
0xa8: {  	[tilespmem:s19+$0x82D0] =	vst v7  }
0xa9: {  	[tilespmem:s19+$0x82E0] =	vst v7  }
0xaa: {  	[tilespmem:s19+$0x82F0] =	vst v7  }
0xab: {  	[tilespmem:s19+$0x8300] =	vst v6  }
0xac: {  	[tilespmem:s19+$0x8310] =	vst v6  }
0xad: {  	[tilespmem:s19+$0x8320] =	vst v6  }
0xae: {  	[tilespmem:s19+$0x8330] =	vst v6  }
0xaf: {  	[tilespmem:s19+$0x8340] =	vst v6  }
0xb0: {  	[tilespmem:s19+$0x8350] =	vst v6  }
0xb1: {  	[tilespmem:s19+$0x8360] =	vst v6  }
0xb2: {  	[tilespmem:s19+$0x8370] =	vst v6  }
0xb3: {  	[tilespmem:s19+$0x8380] =	vst v5  }
0xb4: {  	[tilespmem:s19+$0x8390] =	vst v5  }
0xb5: {  	[tilespmem:s19+$0x83A0] =	vst v5  }
0xb6: {  	[tilespmem:s19+$0x83B0] =	vst v5  }
0xb7: {  	[tilespmem:s19+$0x83C0] =	vst v5  }
0xb8: {  	[tilespmem:s19+$0x83D0] =	vst v5  }
0xb9: {  	[tilespmem:s19+$0x83E0] =	vst v5  }
0xba: {  	[tilespmem:s19+$0x83F0] =	vst v5  }
0xbb: {  	[tilespmem:s19+$0x8400] =	vst v4  }
0xbc: {  	[tilespmem:s19+$0x8410] =	vst v4  }
0xbd: {  	[tilespmem:s19+$0x8420] =	vst v4  }
0xbe: {  	[tilespmem:s19+$0x8430] =	vst v4  }
0xbf: {  	[tilespmem:s19+$0x8440] =	vst v4  }
0xc0: {  	[tilespmem:s19+$0x8450] =	vst v4  }
0xc1: {  	[tilespmem:s19+$0x8460] =	vst v4  }
0xc2: {  	[tilespmem:s19+$0x8470] =	vst v4  }
0xc3: {  	[tilespmem:s19+$0x8480] =	vst v3  }
0xc4: {  	[tilespmem:s19+$0x8490] =	vst v3  }
0xc5: {  	[tilespmem:s19+$0x84A0] =	vst v3  }
0xc6: {  	[tilespmem:s19+$0x84B0] =	vst v3  }
0xc7: {  	[tilespmem:s19+$0x84C0] =	vst v3  }
0xc8: {  	[tilespmem:s19+$0x84D0] =	vst v3  }
0xc9: {  	[tilespmem:s19+$0x84E0] =	vst v3  }
0xca: {  	[tilespmem:s19+$0x84F0] =	vst v3  }
0xcb: {  	[tilespmem:s19+$0x8500] =	vst v2  }
0xcc: {  	[tilespmem:s19+$0x8510] =	vst v2  }
0xcd: {  	[tilespmem:s19+$0x8520] =	vst v2  }
0xce: {  	[tilespmem:s19+$0x8530] =	vst v2  }
0xcf: {  	[tilespmem:s19+$0x8540] =	vst v2  }
0xd0: {  	[tilespmem:s19+$0x8550] =	vst v2  }
0xd1: {  	[tilespmem:s19+$0x8560] =	vst v2  }
0xd2: {  	[tilespmem:s19+$0x8570] =	vst v2  }
0xd3: {  	[tilespmem:s19+$0x8580] =	vst v1  }
0xd4: {  	[tilespmem:s19+$0x8590] =	vst v1  }
0xd5: {  	[tilespmem:s19+$0x85A0] =	vst v1  }
0xd6: {  	[tilespmem:s19+$0x85B0] =	vst v1  }
0xd7: {  	[tilespmem:s19+$0x85C0] =	vst v1  }
0xd8: {  	[tilespmem:s19+$0x85D0] =	vst v1  }
0xd9: {  	[tilespmem:s19+$0x85E0] =	vst v1  }
0xda: {  	[tilespmem:s19+$0x85F0] =	vst v1  }
0xdb: {  	[tilespmem:s19+$0x8600] =	vst v0  }
0xdc: {  	[tilespmem:s19+$0x8610] =	vst v0  }
.Ltmp1:
0xdd: {  	[tilespmem:s19+$0x8620] =	vst v0;
	(pc) =	sbr.rel @p0 .LBB2_5-.Ltmp1, $4  }
0xde: {  	[tilespmem:s19+$0x8630] =	vst v0  }
0xdf: {  	[tilespmem:s19+$0x8640] =	vst v0  }
0xe0: {  	[tilespmem:s19+$0x8650] =	vst v0  }
0xe1: {  	[tilespmem:s19+$0x8660] =	vst v0;
	s19 =	sshra.s32 s20, $0x2;
	s20 =	sadd.s32 $0x1000, s20  }
0xe2: {  	[tilespmem:s19+$0x8670] =	vst v0  }
0xe3: {  	[tilespmem:s19+$0x8280] =	vst v7  }
0xe4: {  	[tilespmem:s19+$0x8290] =	vst v7  }
0xe5: {  	[tilespmem:s19+$0x82A0] =	vst v7  }
0xe6: {  	[tilespmem:s19+$0x82B0] =	vst v7  }
0xe7: {  	[tilespmem:s19+$0x82C0] =	vst v7  }
0xe8: {  	[tilespmem:s19+$0x82D0] =	vst v7  }
0xe9: {  	[tilespmem:s19+$0x82E0] =	vst v7  }
0xea: {  	[tilespmem:s19+$0x82F0] =	vst v7  }
0xeb: {  	[tilespmem:s19+$0x8300] =	vst v6  }
0xec: {  	[tilespmem:s19+$0x8310] =	vst v6  }
0xed: {  	[tilespmem:s19+$0x8320] =	vst v6  }
0xee: {  	[tilespmem:s19+$0x8330] =	vst v6  }
0xef: {  	[tilespmem:s19+$0x8340] =	vst v6  }
0xf0: {  	[tilespmem:s19+$0x8350] =	vst v6  }
0xf1: {  	[tilespmem:s19+$0x8360] =	vst v6  }
0xf2: {  	[tilespmem:s19+$0x8370] =	vst v6  }
0xf3: {  	[tilespmem:s19+$0x8380] =	vst v5  }
0xf4: {  	[tilespmem:s19+$0x8390] =	vst v5  }
0xf5: {  	[tilespmem:s19+$0x83A0] =	vst v5  }
0xf6: {  	[tilespmem:s19+$0x83B0] =	vst v5  }
0xf7: {  	[tilespmem:s19+$0x83C0] =	vst v5  }
0xf8: {  	[tilespmem:s19+$0x83D0] =	vst v5  }
0xf9: {  	[tilespmem:s19+$0x83E0] =	vst v5  }
0xfa: {  	[tilespmem:s19+$0x83F0] =	vst v5  }
0xfb: {  	[tilespmem:s19+$0x8400] =	vst v4  }
0xfc: {  	[tilespmem:s19+$0x8410] =	vst v4  }
0xfd: {  	[tilespmem:s19+$0x8420] =	vst v4  }
0xfe: {  	[tilespmem:s19+$0x8430] =	vst v4  }
0xff: {  	[tilespmem:s19+$0x8440] =	vst v4  }
0x100: {  	[tilespmem:s19+$0x8450] =	vst v4  }
0x101: {  	[tilespmem:s19+$0x8460] =	vst v4  }
0x102: {  	[tilespmem:s19+$0x8470] =	vst v4  }
0x103: {  	[tilespmem:s19+$0x8480] =	vst v3  }
0x104: {  	[tilespmem:s19+$0x8490] =	vst v3  }
0x105: {  	[tilespmem:s19+$0x84A0] =	vst v3  }
0x106: {  	[tilespmem:s19+$0x84B0] =	vst v3  }
0x107: {  	[tilespmem:s19+$0x84C0] =	vst v3  }
0x108: {  	[tilespmem:s19+$0x84D0] =	vst v3  }
0x109: {  	[tilespmem:s19+$0x84E0] =	vst v3  }
0x10a: {  	[tilespmem:s19+$0x84F0] =	vst v3  }
0x10b: {  	[tilespmem:s19+$0x8500] =	vst v2  }
0x10c: {  	[tilespmem:s19+$0x8510] =	vst v2  }
0x10d: {  	[tilespmem:s19+$0x8520] =	vst v2  }
0x10e: {  	[tilespmem:s19+$0x8530] =	vst v2  }
0x10f: {  	[tilespmem:s19+$0x8540] =	vst v2  }
0x110: {  	[tilespmem:s19+$0x8550] =	vst v2  }
0x111: {  	[tilespmem:s19+$0x8560] =	vst v2  }
0x112: {  	[tilespmem:s19+$0x8570] =	vst v2  }
0x113: {  	[tilespmem:s19+$0x8580] =	vst v1  }
0x114: {  	[tilespmem:s19+$0x8590] =	vst v1  }
0x115: {  	[tilespmem:s19+$0x85A0] =	vst v1  }
0x116: {  	[tilespmem:s19+$0x85B0] =	vst v1  }
0x117: {  	[tilespmem:s19+$0x85C0] =	vst v1  }
0x118: {  	[tilespmem:s19+$0x85D0] =	vst v1  }
0x119: {  	[tilespmem:s19+$0x85E0] =	vst v1  }
0x11a: {  	[tilespmem:s19+$0x85F0] =	vst v1  }
0x11b: {  	[tilespmem:s19+$0x8600] =	vst v0  }
0x11c: {  	[tilespmem:s19+$0x8610] =	vst v0;
	s17 =	sadd.s32 $0x1, s17  }
0x11d: {  	[tilespmem:s19+$0x8620] =	vst v0;
	p0 =	sne.s32 s17, $0x19  }
.Ltmp2:
0x11e: {  	[tilespmem:s19+$0x8630] =	vst v0;
	(pc) =	sbr.rel @p0 .LBB2_2-.Ltmp2, $4  }
0x11f: {  	[tilespmem:s19+$0x8640] =	vst v0  }
0x120: {  	[tilespmem:s19+$0x8650] =	vst v0  }
0x121: {  	[tilespmem:s19+$0x8660] =	vst v0;
	s18 =	sadd.s32 s18, s8  }
0x122: {  	[hbm4b:s18+s5] =	stream.linear.scatter [tilespmem:s13], [sflag:$0x2], $0x8000, $0x38;
	[tilespmem:$0x10280] =	vst v63  }
0x123: {  	s16 =	sadd.s32 $0x1, s16  }
0x124: {  	_ =	swait.ge [sflag:s14], $0x8000;
	p0 =	sne.s32 s16, s9  }
.Ltmp3:
0x125: {  	[sflag:s14] =	ssyncset.done $0x0;
	(pc) =	sbr.rel @p0 .LBB2_1-.Ltmp3, $4  }
0x126: {  	[sflag:s14] =	ssyncadd.s32 $0xFFFF8000  }
0x127: {  	_ =	swait.ge [sflag:s15], $0x8000  }
0x128: {  	[sflag:s15] =	ssyncset.done $0x0  }
0x129: {  	[sflag:s15] =	ssyncadd.s32 $0xFFFF8000  }
0x12a: {  	_ =	sfence.sel $0x180000  }
0x12b: {  	[bflag:$0x0] =	sbarrier.arrive $0xFFFF  }
0x12c: {  	p0 =	sne.s32 s0, $0x0;
	_ =	strace $0x90000047  }
0x12d: {  	s0 =	sadd.s32 @!p0 $0x100000, s1;
	[bflag:$0x2] =	sbarrier.arrive $0xFFFF  }
0x12e: {  	[sflag:s0] =	ssyncadd.tile.s32 @!p0 $0x1;
	_ =	shalt  }
.Lfunc_end2:
_tile_overlayer_lowered:
.L_overlay_start_2:
0x12f: {  	(tag) =	ssettag $0x2  }
0x130: {  	s0 =	rddreg [dreg:$0x0];
	s2 =	stileid.u32  }
0x131: {  	s1 =	rddreg [dreg:$0x1];
	p0 =	sne.s32 s2, $0x0  }
0x132: {  	s3 =	rddreg [dreg:$0x2];
	[bflag:$0x3] =	sbarrier.arrive $0xFFFF;
	s2 =	simm.s32 @!p0 $0x1C03  }
0x133: {  	[timem:s3], [sflag:s2] =	dma.local @!p0 [hbm:s0], s1  }
0x134: {  	s0 =	simm.s32 @!p0 $0x3  }
0x135: {  	_ =	swait.ge @!p0 [sflag:s0], s1  }
0x136: {  	s1 =	ssub.s32 @!p0 $0x0, s1;
	[sflag:s0] =	ssyncset.done @!p0 $0x0  }
0x137: {  	[sflag:s0] =	ssyncadd.s32 @!p0 s1  }
0x138: {  	[bflag:$0x3] =	sbarrier.arrive $0xFFFF  }
0x139: {  	_ =	shalt  }

</sc_bundles>
